<compile_context>
chip_gen: v7x
topology: tpu7x:2x2x1
jax: 0.10.2.dev20260603
libtpu: 0.0.44.dev20260713+nightly
codegen_flags: <defaults>
</compile_context>

<pallas_src>
import functools

import jax
import jax.numpy as jnp
from jax import lax
from jax.experimental import pallas as pl
from jax.experimental.pallas import tpu as pltpu
from jax.experimental.pallas import tpu_sc as plsc

H = 768
EPS = 1e-12
C = 32
NBUF = 5


def _make_sc_gather(B, S, V):
    info = plsc.get_sparse_core_info()
    NC, NS = info.num_cores, info.num_subcores
    NW = NC * NS
    TPW = (B * S) // NW
    WPR = S // TPW
    NCHUNK = TPW // C
    LAG = NBUF - 1

    mesh = plsc.VectorSubcoreMesh(core_axis_name="c", subcore_axis_name="s")

    @functools.partial(
        pl.kernel,
        mesh=mesh,
        out_type=jax.ShapeDtypeStruct((B, S, H), jnp.float32),
        scratch_types=[
            pltpu.VMEM((TPW,), jnp.int32),
        ] + [pltpu.VMEM((C, H), jnp.float32) for _ in range(NBUF)]
          + [pltpu.SemaphoreType.DMA for _ in range(2 * NBUF)],
    )
    def k(ids_hbm, word_hbm, out_hbm, idx_all, *rest):
        bufs = rest[:NBUF]
        gsem = rest[NBUF:2 * NBUF]
        ssem = rest[2 * NBUF:]
        wid = lax.axis_index("s") * NC + lax.axis_index("c")
        row = wid // WPR
        col0 = (wid % WPR) * TPW
        pltpu.sync_copy(ids_hbm.at[row, pl.ds(col0, TPW)], idx_all)

        gathers = [None] * NCHUNK
        scatters = [None] * NCHUNK

        def start_scatter(d):
            gathers[d].wait()
            scatters[d] = pltpu.async_copy(
                bufs[d % NBUF],
                out_hbm.at[row, pl.ds(col0 + d * C, C), :],
                ssem[d % NBUF])

        for c in range(NCHUNK):
            r = c % NBUF
            if c >= NBUF:
                scatters[c - NBUF].wait()
            gathers[c] = pltpu.async_copy(
                word_hbm.at[idx_all.at[pl.ds(c * C, C)]], bufs[r], gsem[r])
            if c >= LAG:
                start_scatter(c - LAG)
        for d in range(NCHUNK - LAG, NCHUNK):
            start_scatter(d)
        for d in range(NCHUNK - NBUF, NCHUNK):
            scatters[d].wait()

    return k


def _make_tc_ln(BT, S, B, T):
    TOK = 2048
    SCH = S // TOK
    grid = (SCH, B)

    def body(g_ref, pos_ref, tt_ref, type_ref, gam_ref, bet_ref, o_ref):
        x = g_ref[0] + pos_ref[...]
        tt = tt_ref[...]
        t0 = type_ref[0, :][None, :]
        t1 = type_ref[1, :][None, :]
        x = x + jnp.where(tt == 0, t0, t1)
        mean = jnp.mean(x, axis=-1, keepdims=True)
        c = x - mean
        var = jnp.mean(c * c, axis=-1, keepdims=True)
        inv = lax.rsqrt(var + EPS)
        o_ref[0] = gam_ref[...] * (c * inv) + bet_ref[...]

    return pl.pallas_call(
        body,
        grid=grid,
        in_specs=[
            pl.BlockSpec((1, TOK, H), lambda sc, b: (b, sc, 0)),
            pl.BlockSpec((TOK, H), lambda sc, b: (sc, 0)),
            pl.BlockSpec((TOK, 1), lambda sc, b: (b * SCH + sc, 0)),
            pl.BlockSpec((T, H), lambda sc, b: (0, 0)),
            pl.BlockSpec((1, H), lambda sc, b: (0, 0)),
            pl.BlockSpec((1, H), lambda sc, b: (0, 0)),
        ],
        out_specs=pl.BlockSpec((1, TOK, H), lambda sc, b: (b, sc, 0)),
        out_shape=jax.ShapeDtypeStruct((B, S, H), jnp.float32),
    )


def kernel(input_ids, token_type_ids, word_emb, pos_emb, type_emb, gamma, beta):
    B, S = input_ids.shape
    V = word_emb.shape[0]
    T = type_emb.shape[0]
    BT = B * S
    gathered = _make_sc_gather(B, S, V)(input_ids.astype(jnp.int32), word_emb)
    out = _make_tc_ln(BT, S, B, T)(
        gathered, pos_emb,
        token_type_ids.astype(jnp.int32).reshape(BT, 1), type_emb,
        gamma.reshape(1, H), beta.reshape(1, H))
    return out

# --- scband reference (transcript-rebuilt; emitter-appended) ---
"""Pipeline reference for scband-bert-embeddings-412316860779 (READ-ONLY COPY).

The authoritative reference and input builder live on the scoring server;
editing this copy changes nothing except your own understanding.
"""

import jax, jax.numpy as jnp
import numpy as np

V = 30522
H = 768
P = 2048
T = 2
B = 4
S = 2048
EPS = 1e-12


def setup_inputs(seed: int = 0) -> dict:
    key = jax.random.key(seed)
    k1, k2, k3, k4, k5 = jax.random.split(key, 5)
    input_ids = jax.random.randint(k1, (B, S), 0, V)
    token_type_ids = jax.random.randint(k2, (B, S), 0, T)
    word_emb = jax.random.normal(k3, (V, H), dtype=jnp.float32) * 0.02
    word_emb = word_emb.at[0].set(0.0)  # padding_idx=0
    pos_emb = jax.random.normal(k4, (P, H), dtype=jnp.float32) * 0.02
    type_emb = jax.random.normal(k5, (T, H), dtype=jnp.float32) * 0.02
    gamma = jnp.ones((H,), dtype=jnp.float32)
    beta = jnp.zeros((H,), dtype=jnp.float32)
    return {
        'input_ids': input_ids,
        'token_type_ids': token_type_ids,
        'word_emb': word_emb,
        'pos_emb': pos_emb,
        'type_emb': type_emb,
        'gamma': gamma,
        'beta': beta,
    }


def reference(input_ids, token_type_ids, word_emb, pos_emb, type_emb, gamma, beta):
    seq_length = input_ids.shape[1]
    position_ids = jnp.broadcast_to(jnp.arange(seq_length, dtype=jnp.int32)[None, :], input_ids.shape)
    words_embeddings = jnp.take(word_emb, input_ids, axis=0)
    position_embeddings = jnp.take(pos_emb, position_ids, axis=0)
    token_type_embeddings = jnp.take(type_emb, token_type_ids, axis=0)
    embeddings = words_embeddings + position_embeddings + token_type_embeddings
    mean = jnp.mean(embeddings, axis=-1, keepdims=True)
    var = jnp.mean((embeddings - mean) ** 2, axis=-1, keepdims=True)
    normed = (embeddings - mean) / jnp.sqrt(var + EPS)
    out = gamma * normed + beta
    # dropout is identity in eval mode
    return out

if __name__ == "__main__":
    import jax
    _d = setup_inputs()
    print(jax.jit(kernel)(*tuple(_d.values())))

</pallas_src>

<mosaic_0001>
#map = affine_map<(d0, d1) -> (0, 0)>
#map1 = affine_map<(d0, d1) -> (0, 0, 0)>
module attributes {stable_mosaic.version = 14 : i64} {
  func.func @k(%arg0: i32, %arg1: i32, %arg2: memref<4x2048xi32, #tpu.memory_space<hbm>>, %arg3: memref<30522x768xf32, #tpu.memory_space<hbm>>, %arg4: memref<4x2048x768xf32, #tpu.memory_space<hbm>>, %arg5: memref<256xi32, #tpu.memory_space<vmem>>, %arg6: memref<32x768xf32, #tpu.memory_space<vmem>>, %arg7: memref<32x768xf32, #tpu.memory_space<vmem>>, %arg8: memref<32x768xf32, #tpu.memory_space<vmem>>, %arg9: memref<32x768xf32, #tpu.memory_space<vmem>>, %arg10: memref<32x768xf32, #tpu.memory_space<vmem>>, %arg11: memref<!tpu.dma_semaphore, #tpu.memory_space<semaphore_mem>>, %arg12: memref<!tpu.dma_semaphore, #tpu.memory_space<semaphore_mem>>, %arg13: memref<!tpu.dma_semaphore, #tpu.memory_space<semaphore_mem>>, %arg14: memref<!tpu.dma_semaphore, #tpu.memory_space<semaphore_mem>>, %arg15: memref<!tpu.dma_semaphore, #tpu.memory_space<semaphore_mem>>, %arg16: memref<!tpu.dma_semaphore, #tpu.memory_space<semaphore_mem>>, %arg17: memref<!tpu.dma_semaphore, #tpu.memory_space<semaphore_mem>>, %arg18: memref<!tpu.dma_semaphore, #tpu.memory_space<semaphore_mem>>, %arg19: memref<!tpu.dma_semaphore, #tpu.memory_space<semaphore_mem>>, %arg20: memref<!tpu.dma_semaphore, #tpu.memory_space<semaphore_mem>>) attributes {dimension_semantics = [#tpu.dimension_semantics<core_parallel>, #tpu.dimension_semantics<subcore_parallel>], iteration_bounds = array<i64: 2, 16>, scalar_prefetch = 0 : i64, scratch_operands = 16 : i64, tpu.core_type = #tpu.core_type<sc_vector_subcore>, window_params = [{transform_indices = #map}, {transform_indices = #map}, {transform_indices = #map1}]} {
    %mul3A = arith.constant 2 : i32
    %mul3A_0 = arith.muli %arg1, %mul3A : i32
    %add3A = arith.addi %mul3A_0, %arg0 : i32
    %jit3A = arith.constant 8 : i32
    %div3A = arith.divsi %add3A, %jit3A : i32
    %sign3A = arith.constant 0 : i32
    %sign3A_1 = arith.cmpi sgt, %add3A, %sign3A : i32
    %sign3A_2 = arith.extui %sign3A_1 : i1 to i32
    %sign3A_3 = arith.constant 0 : i32
    %sign3A_4 = arith.cmpi slt, %add3A, %sign3A_3 : i32
    %sign3A_5 = arith.extui %sign3A_4 : i1 to i32
    %sign3A_6 = arith.subi %sign3A_2, %sign3A_5 : i32
    %sign3A_7 = arith.constant 0 : i32
    %sign3A_8 = arith.cmpi sgt, %jit3A, %sign3A_7 : i32
    %sign3A_9 = arith.extui %sign3A_8 : i1 to i32
    %sign3A_10 = arith.constant 0 : i32
    %sign3A_11 = arith.cmpi slt, %jit3A, %sign3A_10 : i32
    %sign3A_12 = arith.extui %sign3A_11 : i1 to i32
    %sign3A_13 = arith.subi %sign3A_9, %sign3A_12 : i32
    %ne3A = arith.cmpi ne, %sign3A_6, %sign3A_13 : i32
    %rem3A = arith.remsi %add3A, %jit3A : i32
    %ne3A_14 = arith.constant 0 : i32
    %ne3A_15 = arith.cmpi ne, %rem3A, %ne3A_14 : i32
    %and3A = arith.andi %ne3A, %ne3A_15 : i1
    %sub3A = arith.constant 1 : i32
    %sub3A_16 = arith.subi %div3A, %sub3A : i32
    %select_n3A = arith.select %and3A, %sub3A_16, %div3A : i32
    %jit3A_17 = arith.constant 8 : i32
    %eq3A = arith.constant 0 : i32
    %eq3A_18 = arith.cmpi eq, %jit3A_17, %eq3A : i32
    %jit3A_19 = arith.constant 1 : i32
    %select_n3A_20 = arith.select %eq3A_18, %jit3A_19, %jit3A_17 : i32
    %rem3A_21 = arith.remsi %add3A, %select_n3A_20 : i32
    %ne3A_22 = arith.constant 0 : i32
    %ne3A_23 = arith.cmpi ne, %rem3A_21, %ne3A_22 : i32
    %lt3A = arith.constant 0 : i32
    %lt3A_24 = arith.cmpi slt, %rem3A_21, %lt3A : i32
    %lt3A_25 = arith.constant 0 : i32
    %lt3A_26 = arith.cmpi slt, %select_n3A_20, %lt3A_25 : i32
    %ne3A_27 = arith.xori %lt3A_24, %lt3A_26 : i1
    %and3A_28 = arith.andi %ne3A_27, %ne3A_23 : i1
    %add3A_29 = arith.addi %rem3A_21, %select_n3A_20 : i32
    %select_n3A_30 = arith.select %and3A_28, %add3A_29, %rem3A_21 : i32
    %mul3A_31 = arith.constant 256 : i32
    %mul3A_32 = arith.muli %select_n3A_30, %mul3A_31 : i32
    "tpu.region"() ({
      %run_scoped3A = tpu.sem_alloc : memref<!tpu.dma_semaphore, #tpu.memory_space<semaphore_mem>>
      %dma_start3A_223 = tpu.memref_slice %arg2[%select_n3A, %mul3A_32] : memref<4x2048xi32, #tpu.memory_space<hbm>> -> memref<1x256xi32, #tpu.memory_space<hbm>>
      %dma_start3A_224 = tpu.memref_squeeze %dma_start3A_223 : memref<1x256xi32, #tpu.memory_space<hbm>> -> memref<256xi32, #tpu.memory_space<hbm>>
      %dma_start3A_225 = tpu.memref_slice %arg2[%select_n3A, %mul3A_32] : memref<4x2048xi32, #tpu.memory_space<hbm>> -> memref<1x256xi32, #tpu.memory_space<hbm>>
      %dma_start3A_226 = tpu.memref_squeeze %dma_start3A_225 : memref<1x256xi32, #tpu.memory_space<hbm>> -> memref<256xi32, #tpu.memory_space<hbm>>
      tpu.enqueue_dma source(%dma_start3A_226 : memref<256xi32, #tpu.memory_space<hbm>>) target(%arg5 : memref<256xi32, #tpu.memory_space<vmem>>) target_semaphore(%run_scoped3A : memref<!tpu.dma_semaphore, #tpu.memory_space<semaphore_mem>>)
      %dma_wait3A_227 = tpu.memref_slice %arg2[%select_n3A, %mul3A_32] : memref<4x2048xi32, #tpu.memory_space<hbm>> -> memref<1x256xi32, #tpu.memory_space<hbm>>
      %dma_wait3A_228 = tpu.memref_squeeze %dma_wait3A_227 : memref<1x256xi32, #tpu.memory_space<hbm>> -> memref<256xi32, #tpu.memory_space<hbm>>
      %dma_wait3A_229 = tpu.memref_slice %arg2[%select_n3A, %mul3A_32] : memref<4x2048xi32, #tpu.memory_space<hbm>> -> memref<1x256xi32, #tpu.memory_space<hbm>>
      %dma_wait3A_230 = tpu.memref_squeeze %dma_wait3A_229 : memref<1x256xi32, #tpu.memory_space<hbm>> -> memref<256xi32, #tpu.memory_space<hbm>>
      tpu.wait_dma2 semaphore(%run_scoped3A : memref<!tpu.dma_semaphore, #tpu.memory_space<semaphore_mem>>) src(%dma_wait3A_230 : memref<256xi32, #tpu.memory_space<hbm>>) dst(%arg5 : memref<256xi32, #tpu.memory_space<vmem>>)
      tpu.yield
    }) : () -> ()
    %dma_start3A = arith.constant 0 : i32
    %dma_start3A_33 = tpu.memref_slice %arg5[%dma_start3A] : memref<256xi32, #tpu.memory_space<vmem>> -> memref<32xi32, #tpu.memory_space<vmem>>
    %dma_start3A_34 = arith.constant 0 : i32
    %dma_start3A_35 = arith.constant 0 : i32
    %dma_start3A_36 = tpu.memref_slice %arg3[%dma_start3A_34, %dma_start3A_35] : memref<30522x768xf32, #tpu.memory_space<hbm>> -> memref<30522x768xf32, #tpu.memory_space<hbm>>
    tpu.enqueue_indirect_dma source(%dma_start3A_36 : memref<30522x768xf32, #tpu.memory_space<hbm>>) target(%arg6 : memref<32x768xf32, #tpu.memory_space<vmem>>) offsets(%dma_start3A_33 : memref<32xi32, #tpu.memory_space<vmem>>) semaphore(%arg11 : memref<!tpu.dma_semaphore, #tpu.memory_space<semaphore_mem>>)
    %dma_start3A_37 = arith.constant 32 : i32
    %dma_start3A_38 = tpu.memref_slice %arg5[%dma_start3A_37] : memref<256xi32, #tpu.memory_space<vmem>> -> memref<32xi32, #tpu.memory_space<vmem>>
    %dma_start3A_39 = arith.constant 0 : i32
    %dma_start3A_40 = arith.constant 0 : i32
    %dma_start3A_41 = tpu.memref_slice %arg3[%dma_start3A_39, %dma_start3A_40] : memref<30522x768xf32, #tpu.memory_space<hbm>> -> memref<30522x768xf32, #tpu.memory_space<hbm>>
    tpu.enqueue_indirect_dma source(%dma_start3A_41 : memref<30522x768xf32, #tpu.memory_space<hbm>>) target(%arg7 : memref<32x768xf32, #tpu.memory_space<vmem>>) offsets(%dma_start3A_38 : memref<32xi32, #tpu.memory_space<vmem>>) semaphore(%arg12 : memref<!tpu.dma_semaphore, #tpu.memory_space<semaphore_mem>>)
    %dma_start3A_42 = arith.constant 64 : i32
    %dma_start3A_43 = tpu.memref_slice %arg5[%dma_start3A_42] : memref<256xi32, #tpu.memory_space<vmem>> -> memref<32xi32, #tpu.memory_space<vmem>>
    %dma_start3A_44 = arith.constant 0 : i32
    %dma_start3A_45 = arith.constant 0 : i32
    %dma_start3A_46 = tpu.memref_slice %arg3[%dma_start3A_44, %dma_start3A_45] : memref<30522x768xf32, #tpu.memory_space<hbm>> -> memref<30522x768xf32, #tpu.memory_space<hbm>>
    tpu.enqueue_indirect_dma source(%dma_start3A_46 : memref<30522x768xf32, #tpu.memory_space<hbm>>) target(%arg8 : memref<32x768xf32, #tpu.memory_space<vmem>>) offsets(%dma_start3A_43 : memref<32xi32, #tpu.memory_space<vmem>>) semaphore(%arg13 : memref<!tpu.dma_semaphore, #tpu.memory_space<semaphore_mem>>)
    %dma_start3A_47 = arith.constant 96 : i32
    %dma_start3A_48 = tpu.memref_slice %arg5[%dma_start3A_47] : memref<256xi32, #tpu.memory_space<vmem>> -> memref<32xi32, #tpu.memory_space<vmem>>
    %dma_start3A_49 = arith.constant 0 : i32
    %dma_start3A_50 = arith.constant 0 : i32
    %dma_start3A_51 = tpu.memref_slice %arg3[%dma_start3A_49, %dma_start3A_50] : memref<30522x768xf32, #tpu.memory_space<hbm>> -> memref<30522x768xf32, #tpu.memory_space<hbm>>
    tpu.enqueue_indirect_dma source(%dma_start3A_51 : memref<30522x768xf32, #tpu.memory_space<hbm>>) target(%arg9 : memref<32x768xf32, #tpu.memory_space<vmem>>) offsets(%dma_start3A_48 : memref<32xi32, #tpu.memory_space<vmem>>) semaphore(%arg14 : memref<!tpu.dma_semaphore, #tpu.memory_space<semaphore_mem>>)
    %dma_start3A_52 = arith.constant 128 : i32
    %dma_start3A_53 = tpu.memref_slice %arg5[%dma_start3A_52] : memref<256xi32, #tpu.memory_space<vmem>> -> memref<32xi32, #tpu.memory_space<vmem>>
    %dma_start3A_54 = arith.constant 0 : i32
    %dma_start3A_55 = arith.constant 0 : i32
    %dma_start3A_56 = tpu.memref_slice %arg3[%dma_start3A_54, %dma_start3A_55] : memref<30522x768xf32, #tpu.memory_space<hbm>> -> memref<30522x768xf32, #tpu.memory_space<hbm>>
    tpu.enqueue_indirect_dma source(%dma_start3A_56 : memref<30522x768xf32, #tpu.memory_space<hbm>>) target(%arg10 : memref<32x768xf32, #tpu.memory_space<vmem>>) offsets(%dma_start3A_53 : memref<32xi32, #tpu.memory_space<vmem>>) semaphore(%arg15 : memref<!tpu.dma_semaphore, #tpu.memory_space<semaphore_mem>>)
    %dma_wait3A = arith.constant 0 : i32
    %dma_wait3A_57 = tpu.memref_slice %arg5[%dma_wait3A] : memref<256xi32, #tpu.memory_space<vmem>> -> memref<32xi32, #tpu.memory_space<vmem>>
    %dma_wait3A_58 = arith.constant 0 : i32
    %dma_wait3A_59 = arith.constant 0 : i32
    %dma_wait3A_60 = tpu.memref_slice %arg3[%dma_wait3A_58, %dma_wait3A_59] : memref<30522x768xf32, #tpu.memory_space<hbm>> -> memref<30522x768xf32, #tpu.memory_space<hbm>>
    tpu.wait_indirect_dma semaphore(%arg11 : memref<!tpu.dma_semaphore, #tpu.memory_space<semaphore_mem>>) src(%dma_wait3A_60 : memref<30522x768xf32, #tpu.memory_space<hbm>>) dst(%arg6 : memref<32x768xf32, #tpu.memory_space<vmem>>)
    %add3A_61 = arith.constant 0 : i32
    %add3A_62 = arith.addi %mul3A_32, %add3A_61 : i32
    %dma_start3A_63 = arith.constant 0 : i32
    %dma_start3A_64 = tpu.memref_slice %arg4[%select_n3A, %add3A_62, %dma_start3A_63] : memref<4x2048x768xf32, #tpu.memory_space<hbm>> -> memref<1x32x768xf32, #tpu.memory_space<hbm>>
    %dma_start3A_65 = tpu.memref_squeeze %dma_start3A_64 : memref<1x32x768xf32, #tpu.memory_space<hbm>> -> memref<32x768xf32, #tpu.memory_space<hbm>>
    %dma_start3A_66 = arith.constant 0 : i32
    %dma_start3A_67 = tpu.memref_slice %arg4[%select_n3A, %add3A_62, %dma_start3A_66] : memref<4x2048x768xf32, #tpu.memory_space<hbm>> -> memref<1x32x768xf32, #tpu.memory_space<hbm>>
    %dma_start3A_68 = tpu.memref_squeeze %dma_start3A_67 : memref<1x32x768xf32, #tpu.memory_space<hbm>> -> memref<32x768xf32, #tpu.memory_space<hbm>>
    tpu.enqueue_dma source(%arg6 : memref<32x768xf32, #tpu.memory_space<vmem>>) target(%dma_start3A_68 : memref<32x768xf32, #tpu.memory_space<hbm>>) target_semaphore(%arg16 : memref<!tpu.dma_semaphore, #tpu.memory_space<semaphore_mem>>)
    %dma_wait3A_69 = arith.constant 0 : i32
    %dma_wait3A_70 = tpu.memref_slice %arg4[%select_n3A, %add3A_62, %dma_wait3A_69] : memref<4x2048x768xf32, #tpu.memory_space<hbm>> -> memref<1x32x768xf32, #tpu.memory_space<hbm>>
    %dma_wait3A_71 = tpu.memref_squeeze %dma_wait3A_70 : memref<1x32x768xf32, #tpu.memory_space<hbm>> -> memref<32x768xf32, #tpu.memory_space<hbm>>
    %dma_wait3A_72 = arith.constant 0 : i32
    %dma_wait3A_73 = tpu.memref_slice %arg4[%select_n3A, %add3A_62, %dma_wait3A_72] : memref<4x2048x768xf32, #tpu.memory_space<hbm>> -> memref<1x32x768xf32, #tpu.memory_space<hbm>>
    %dma_wait3A_74 = tpu.memref_squeeze %dma_wait3A_73 : memref<1x32x768xf32, #tpu.memory_space<hbm>> -> memref<32x768xf32, #tpu.memory_space<hbm>>
    tpu.wait_dma2 semaphore(%arg16 : memref<!tpu.dma_semaphore, #tpu.memory_space<semaphore_mem>>) src(%arg6 : memref<32x768xf32, #tpu.memory_space<vmem>>) dst(%dma_wait3A_74 : memref<32x768xf32, #tpu.memory_space<hbm>>)
    %dma_start3A_75 = arith.constant 160 : i32
    %dma_start3A_76 = tpu.memref_slice %arg5[%dma_start3A_75] : memref<256xi32, #tpu.memory_space<vmem>> -> memref<32xi32, #tpu.memory_space<vmem>>
    %dma_start3A_77 = arith.constant 0 : i32
    %dma_start3A_78 = arith.constant 0 : i32
    %dma_start3A_79 = tpu.memref_slice %arg3[%dma_start3A_77, %dma_start3A_78] : memref<30522x768xf32, #tpu.memory_space<hbm>> -> memref<30522x768xf32, #tpu.memory_space<hbm>>
    tpu.enqueue_indirect_dma source(%dma_start3A_79 : memref<30522x768xf32, #tpu.memory_space<hbm>>) target(%arg6 : memref<32x768xf32, #tpu.memory_space<vmem>>) offsets(%dma_start3A_76 : memref<32xi32, #tpu.memory_space<vmem>>) semaphore(%arg11 : memref<!tpu.dma_semaphore, #tpu.memory_space<semaphore_mem>>)
    %dma_wait3A_80 = arith.constant 32 : i32
    %dma_wait3A_81 = tpu.memref_slice %arg5[%dma_wait3A_80] : memref<256xi32, #tpu.memory_space<vmem>> -> memref<32xi32, #tpu.memory_space<vmem>>
    %dma_wait3A_82 = arith.constant 0 : i32
    %dma_wait3A_83 = arith.constant 0 : i32
    %dma_wait3A_84 = tpu.memref_slice %arg3[%dma_wait3A_82, %dma_wait3A_83] : memref<30522x768xf32, #tpu.memory_space<hbm>> -> memref<30522x768xf32, #tpu.memory_space<hbm>>
    tpu.wait_indirect_dma semaphore(%arg12 : memref<!tpu.dma_semaphore, #tpu.memory_space<semaphore_mem>>) src(%dma_wait3A_84 : memref<30522x768xf32, #tpu.memory_space<hbm>>) dst(%arg7 : memref<32x768xf32, #tpu.memory_space<vmem>>)
    %add3A_85 = arith.constant 32 : i32
    %add3A_86 = arith.addi %mul3A_32, %add3A_85 : i32
    %dma_start3A_87 = arith.constant 0 : i32
    %dma_start3A_88 = tpu.memref_slice %arg4[%select_n3A, %add3A_86, %dma_start3A_87] : memref<4x2048x768xf32, #tpu.memory_space<hbm>> -> memref<1x32x768xf32, #tpu.memory_space<hbm>>
    %dma_start3A_89 = tpu.memref_squeeze %dma_start3A_88 : memref<1x32x768xf32, #tpu.memory_space<hbm>> -> memref<32x768xf32, #tpu.memory_space<hbm>>
    %dma_start3A_90 = arith.constant 0 : i32
    %dma_start3A_91 = tpu.memref_slice %arg4[%select_n3A, %add3A_86, %dma_start3A_90] : memref<4x2048x768xf32, #tpu.memory_space<hbm>> -> memref<1x32x768xf32, #tpu.memory_space<hbm>>
    %dma_start3A_92 = tpu.memref_squeeze %dma_start3A_91 : memref<1x32x768xf32, #tpu.memory_space<hbm>> -> memref<32x768xf32, #tpu.memory_space<hbm>>
    tpu.enqueue_dma source(%arg7 : memref<32x768xf32, #tpu.memory_space<vmem>>) target(%dma_start3A_92 : memref<32x768xf32, #tpu.memory_space<hbm>>) target_semaphore(%arg17 : memref<!tpu.dma_semaphore, #tpu.memory_space<semaphore_mem>>)
    %dma_wait3A_93 = arith.constant 0 : i32
    %dma_wait3A_94 = tpu.memref_slice %arg4[%select_n3A, %add3A_86, %dma_wait3A_93] : memref<4x2048x768xf32, #tpu.memory_space<hbm>> -> memref<1x32x768xf32, #tpu.memory_space<hbm>>
    %dma_wait3A_95 = tpu.memref_squeeze %dma_wait3A_94 : memref<1x32x768xf32, #tpu.memory_space<hbm>> -> memref<32x768xf32, #tpu.memory_space<hbm>>
    %dma_wait3A_96 = arith.constant 0 : i32
    %dma_wait3A_97 = tpu.memref_slice %arg4[%select_n3A, %add3A_86, %dma_wait3A_96] : memref<4x2048x768xf32, #tpu.memory_space<hbm>> -> memref<1x32x768xf32, #tpu.memory_space<hbm>>
    %dma_wait3A_98 = tpu.memref_squeeze %dma_wait3A_97 : memref<1x32x768xf32, #tpu.memory_space<hbm>> -> memref<32x768xf32, #tpu.memory_space<hbm>>
    tpu.wait_dma2 semaphore(%arg17 : memref<!tpu.dma_semaphore, #tpu.memory_space<semaphore_mem>>) src(%arg7 : memref<32x768xf32, #tpu.memory_space<vmem>>) dst(%dma_wait3A_98 : memref<32x768xf32, #tpu.memory_space<hbm>>)
    %dma_start3A_99 = arith.constant 192 : i32
    %dma_start3A_100 = tpu.memref_slice %arg5[%dma_start3A_99] : memref<256xi32, #tpu.memory_space<vmem>> -> memref<32xi32, #tpu.memory_space<vmem>>
    %dma_start3A_101 = arith.constant 0 : i32
    %dma_start3A_102 = arith.constant 0 : i32
    %dma_start3A_103 = tpu.memref_slice %arg3[%dma_start3A_101, %dma_start3A_102] : memref<30522x768xf32, #tpu.memory_space<hbm>> -> memref<30522x768xf32, #tpu.memory_space<hbm>>
    tpu.enqueue_indirect_dma source(%dma_start3A_103 : memref<30522x768xf32, #tpu.memory_space<hbm>>) target(%arg7 : memref<32x768xf32, #tpu.memory_space<vmem>>) offsets(%dma_start3A_100 : memref<32xi32, #tpu.memory_space<vmem>>) semaphore(%arg12 : memref<!tpu.dma_semaphore, #tpu.memory_space<semaphore_mem>>)
    %dma_wait3A_104 = arith.constant 64 : i32
    %dma_wait3A_105 = tpu.memref_slice %arg5[%dma_wait3A_104] : memref<256xi32, #tpu.memory_space<vmem>> -> memref<32xi32, #tpu.memory_space<vmem>>
    %dma_wait3A_106 = arith.constant 0 : i32
    %dma_wait3A_107 = arith.constant 0 : i32
    %dma_wait3A_108 = tpu.memref_slice %arg3[%dma_wait3A_106, %dma_wait3A_107] : memref<30522x768xf32, #tpu.memory_space<hbm>> -> memref<30522x768xf32, #tpu.memory_space<hbm>>
    tpu.wait_indirect_dma semaphore(%arg13 : memref<!tpu.dma_semaphore, #tpu.memory_space<semaphore_mem>>) src(%dma_wait3A_108 : memref<30522x768xf32, #tpu.memory_space<hbm>>) dst(%arg8 : memref<32x768xf32, #tpu.memory_space<vmem>>)
    %add3A_109 = arith.constant 64 : i32
    %add3A_110 = arith.addi %mul3A_32, %add3A_109 : i32
    %dma_start3A_111 = arith.constant 0 : i32
    %dma_start3A_112 = tpu.memref_slice %arg4[%select_n3A, %add3A_110, %dma_start3A_111] : memref<4x2048x768xf32, #tpu.memory_space<hbm>> -> memref<1x32x768xf32, #tpu.memory_space<hbm>>
    %dma_start3A_113 = tpu.memref_squeeze %dma_start3A_112 : memref<1x32x768xf32, #tpu.memory_space<hbm>> -> memref<32x768xf32, #tpu.memory_space<hbm>>
    %dma_start3A_114 = arith.constant 0 : i32
    %dma_start3A_115 = tpu.memref_slice %arg4[%select_n3A, %add3A_110, %dma_start3A_114] : memref<4x2048x768xf32, #tpu.memory_space<hbm>> -> memref<1x32x768xf32, #tpu.memory_space<hbm>>
    %dma_start3A_116 = tpu.memref_squeeze %dma_start3A_115 : memref<1x32x768xf32, #tpu.memory_space<hbm>> -> memref<32x768xf32, #tpu.memory_space<hbm>>
    tpu.enqueue_dma source(%arg8 : memref<32x768xf32, #tpu.memory_space<vmem>>) target(%dma_start3A_116 : memref<32x768xf32, #tpu.memory_space<hbm>>) target_semaphore(%arg18 : memref<!tpu.dma_semaphore, #tpu.memory_space<semaphore_mem>>)
    %dma_wait3A_117 = arith.constant 0 : i32
    %dma_wait3A_118 = tpu.memref_slice %arg4[%select_n3A, %add3A_110, %dma_wait3A_117] : memref<4x2048x768xf32, #tpu.memory_space<hbm>> -> memref<1x32x768xf32, #tpu.memory_space<hbm>>
    %dma_wait3A_119 = tpu.memref_squeeze %dma_wait3A_118 : memref<1x32x768xf32, #tpu.memory_space<hbm>> -> memref<32x768xf32, #tpu.memory_space<hbm>>
    %dma_wait3A_120 = arith.constant 0 : i32
    %dma_wait3A_121 = tpu.memref_slice %arg4[%select_n3A, %add3A_110, %dma_wait3A_120] : memref<4x2048x768xf32, #tpu.memory_space<hbm>> -> memref<1x32x768xf32, #tpu.memory_space<hbm>>
    %dma_wait3A_122 = tpu.memref_squeeze %dma_wait3A_121 : memref<1x32x768xf32, #tpu.memory_space<hbm>> -> memref<32x768xf32, #tpu.memory_space<hbm>>
    tpu.wait_dma2 semaphore(%arg18 : memref<!tpu.dma_semaphore, #tpu.memory_space<semaphore_mem>>) src(%arg8 : memref<32x768xf32, #tpu.memory_space<vmem>>) dst(%dma_wait3A_122 : memref<32x768xf32, #tpu.memory_space<hbm>>)
    %dma_start3A_123 = arith.constant 224 : i32
    %dma_start3A_124 = tpu.memref_slice %arg5[%dma_start3A_123] : memref<256xi32, #tpu.memory_space<vmem>> -> memref<32xi32, #tpu.memory_space<vmem>>
    %dma_start3A_125 = arith.constant 0 : i32
    %dma_start3A_126 = arith.constant 0 : i32
    %dma_start3A_127 = tpu.memref_slice %arg3[%dma_start3A_125, %dma_start3A_126] : memref<30522x768xf32, #tpu.memory_space<hbm>> -> memref<30522x768xf32, #tpu.memory_space<hbm>>
    tpu.enqueue_indirect_dma source(%dma_start3A_127 : memref<30522x768xf32, #tpu.memory_space<hbm>>) target(%arg8 : memref<32x768xf32, #tpu.memory_space<vmem>>) offsets(%dma_start3A_124 : memref<32xi32, #tpu.memory_space<vmem>>) semaphore(%arg13 : memref<!tpu.dma_semaphore, #tpu.memory_space<semaphore_mem>>)
    %dma_wait3A_128 = arith.constant 96 : i32
    %dma_wait3A_129 = tpu.memref_slice %arg5[%dma_wait3A_128] : memref<256xi32, #tpu.memory_space<vmem>> -> memref<32xi32, #tpu.memory_space<vmem>>
    %dma_wait3A_130 = arith.constant 0 : i32
    %dma_wait3A_131 = arith.constant 0 : i32
    %dma_wait3A_132 = tpu.memref_slice %arg3[%dma_wait3A_130, %dma_wait3A_131] : memref<30522x768xf32, #tpu.memory_space<hbm>> -> memref<30522x768xf32, #tpu.memory_space<hbm>>
    tpu.wait_indirect_dma semaphore(%arg14 : memref<!tpu.dma_semaphore, #tpu.memory_space<semaphore_mem>>) src(%dma_wait3A_132 : memref<30522x768xf32, #tpu.memory_space<hbm>>) dst(%arg9 : memref<32x768xf32, #tpu.memory_space<vmem>>)
    %add3A_133 = arith.constant 96 : i32
    %add3A_134 = arith.addi %mul3A_32, %add3A_133 : i32
    %dma_start3A_135 = arith.constant 0 : i32
    %dma_start3A_136 = tpu.memref_slice %arg4[%select_n3A, %add3A_134, %dma_start3A_135] : memref<4x2048x768xf32, #tpu.memory_space<hbm>> -> memref<1x32x768xf32, #tpu.memory_space<hbm>>
    %dma_start3A_137 = tpu.memref_squeeze %dma_start3A_136 : memref<1x32x768xf32, #tpu.memory_space<hbm>> -> memref<32x768xf32, #tpu.memory_space<hbm>>
    %dma_start3A_138 = arith.constant 0 : i32
    %dma_start3A_139 = tpu.memref_slice %arg4[%select_n3A, %add3A_134, %dma_start3A_138] : memref<4x2048x768xf32, #tpu.memory_space<hbm>> -> memref<1x32x768xf32, #tpu.memory_space<hbm>>
    %dma_start3A_140 = tpu.memref_squeeze %dma_start3A_139 : memref<1x32x768xf32, #tpu.memory_space<hbm>> -> memref<32x768xf32, #tpu.memory_space<hbm>>
    tpu.enqueue_dma source(%arg9 : memref<32x768xf32, #tpu.memory_space<vmem>>) target(%dma_start3A_140 : memref<32x768xf32, #tpu.memory_space<hbm>>) target_semaphore(%arg19 : memref<!tpu.dma_semaphore, #tpu.memory_space<semaphore_mem>>)
    %dma_wait3A_141 = arith.constant 128 : i32
    %dma_wait3A_142 = tpu.memref_slice %arg5[%dma_wait3A_141] : memref<256xi32, #tpu.memory_space<vmem>> -> memref<32xi32, #tpu.memory_space<vmem>>
    %dma_wait3A_143 = arith.constant 0 : i32
    %dma_wait3A_144 = arith.constant 0 : i32
    %dma_wait3A_145 = tpu.memref_slice %arg3[%dma_wait3A_143, %dma_wait3A_144] : memref<30522x768xf32, #tpu.memory_space<hbm>> -> memref<30522x768xf32, #tpu.memory_space<hbm>>
    tpu.wait_indirect_dma semaphore(%arg15 : memref<!tpu.dma_semaphore, #tpu.memory_space<semaphore_mem>>) src(%dma_wait3A_145 : memref<30522x768xf32, #tpu.memory_space<hbm>>) dst(%arg10 : memref<32x768xf32, #tpu.memory_space<vmem>>)
    %add3A_146 = arith.constant 128 : i32
    %add3A_147 = arith.addi %mul3A_32, %add3A_146 : i32
    %dma_start3A_148 = arith.constant 0 : i32
    %dma_start3A_149 = tpu.memref_slice %arg4[%select_n3A, %add3A_147, %dma_start3A_148] : memref<4x2048x768xf32, #tpu.memory_space<hbm>> -> memref<1x32x768xf32, #tpu.memory_space<hbm>>
    %dma_start3A_150 = tpu.memref_squeeze %dma_start3A_149 : memref<1x32x768xf32, #tpu.memory_space<hbm>> -> memref<32x768xf32, #tpu.memory_space<hbm>>
    %dma_start3A_151 = arith.constant 0 : i32
    %dma_start3A_152 = tpu.memref_slice %arg4[%select_n3A, %add3A_147, %dma_start3A_151] : memref<4x2048x768xf32, #tpu.memory_space<hbm>> -> memref<1x32x768xf32, #tpu.memory_space<hbm>>
    %dma_start3A_153 = tpu.memref_squeeze %dma_start3A_152 : memref<1x32x768xf32, #tpu.memory_space<hbm>> -> memref<32x768xf32, #tpu.memory_space<hbm>>
    tpu.enqueue_dma source(%arg10 : memref<32x768xf32, #tpu.memory_space<vmem>>) target(%dma_start3A_153 : memref<32x768xf32, #tpu.memory_space<hbm>>) target_semaphore(%arg20 : memref<!tpu.dma_semaphore, #tpu.memory_space<semaphore_mem>>)
    %dma_wait3A_154 = arith.constant 160 : i32
    %dma_wait3A_155 = tpu.memref_slice %arg5[%dma_wait3A_154] : memref<256xi32, #tpu.memory_space<vmem>> -> memref<32xi32, #tpu.memory_space<vmem>>
    %dma_wait3A_156 = arith.constant 0 : i32
    %dma_wait3A_157 = arith.constant 0 : i32
    %dma_wait3A_158 = tpu.memref_slice %arg3[%dma_wait3A_156, %dma_wait3A_157] : memref<30522x768xf32, #tpu.memory_space<hbm>> -> memref<30522x768xf32, #tpu.memory_space<hbm>>
    tpu.wait_indirect_dma semaphore(%arg11 : memref<!tpu.dma_semaphore, #tpu.memory_space<semaphore_mem>>) src(%dma_wait3A_158 : memref<30522x768xf32, #tpu.memory_space<hbm>>) dst(%arg6 : memref<32x768xf32, #tpu.memory_space<vmem>>)
    %add3A_159 = arith.constant 160 : i32
    %add3A_160 = arith.addi %mul3A_32, %add3A_159 : i32
    %dma_start3A_161 = arith.constant 0 : i32
    %dma_start3A_162 = tpu.memref_slice %arg4[%select_n3A, %add3A_160, %dma_start3A_161] : memref<4x2048x768xf32, #tpu.memory_space<hbm>> -> memref<1x32x768xf32, #tpu.memory_space<hbm>>
    %dma_start3A_163 = tpu.memref_squeeze %dma_start3A_162 : memref<1x32x768xf32, #tpu.memory_space<hbm>> -> memref<32x768xf32, #tpu.memory_space<hbm>>
    %dma_start3A_164 = arith.constant 0 : i32
    %dma_start3A_165 = tpu.memref_slice %arg4[%select_n3A, %add3A_160, %dma_start3A_164] : memref<4x2048x768xf32, #tpu.memory_space<hbm>> -> memref<1x32x768xf32, #tpu.memory_space<hbm>>
    %dma_start3A_166 = tpu.memref_squeeze %dma_start3A_165 : memref<1x32x768xf32, #tpu.memory_space<hbm>> -> memref<32x768xf32, #tpu.memory_space<hbm>>
    tpu.enqueue_dma source(%arg6 : memref<32x768xf32, #tpu.memory_space<vmem>>) target(%dma_start3A_166 : memref<32x768xf32, #tpu.memory_space<hbm>>) target_semaphore(%arg16 : memref<!tpu.dma_semaphore, #tpu.memory_space<semaphore_mem>>)
    %dma_wait3A_167 = arith.constant 192 : i32
    %dma_wait3A_168 = tpu.memref_slice %arg5[%dma_wait3A_167] : memref<256xi32, #tpu.memory_space<vmem>> -> memref<32xi32, #tpu.memory_space<vmem>>
    %dma_wait3A_169 = arith.constant 0 : i32
    %dma_wait3A_170 = arith.constant 0 : i32
    %dma_wait3A_171 = tpu.memref_slice %arg3[%dma_wait3A_169, %dma_wait3A_170] : memref<30522x768xf32, #tpu.memory_space<hbm>> -> memref<30522x768xf32, #tpu.memory_space<hbm>>
    tpu.wait_indirect_dma semaphore(%arg12 : memref<!tpu.dma_semaphore, #tpu.memory_space<semaphore_mem>>) src(%dma_wait3A_171 : memref<30522x768xf32, #tpu.memory_space<hbm>>) dst(%arg7 : memref<32x768xf32, #tpu.memory_space<vmem>>)
    %add3A_172 = arith.constant 192 : i32
    %add3A_173 = arith.addi %mul3A_32, %add3A_172 : i32
    %dma_start3A_174 = arith.constant 0 : i32
    %dma_start3A_175 = tpu.memref_slice %arg4[%select_n3A, %add3A_173, %dma_start3A_174] : memref<4x2048x768xf32, #tpu.memory_space<hbm>> -> memref<1x32x768xf32, #tpu.memory_space<hbm>>
    %dma_start3A_176 = tpu.memref_squeeze %dma_start3A_175 : memref<1x32x768xf32, #tpu.memory_space<hbm>> -> memref<32x768xf32, #tpu.memory_space<hbm>>
    %dma_start3A_177 = arith.constant 0 : i32
    %dma_start3A_178 = tpu.memref_slice %arg4[%select_n3A, %add3A_173, %dma_start3A_177] : memref<4x2048x768xf32, #tpu.memory_space<hbm>> -> memref<1x32x768xf32, #tpu.memory_space<hbm>>
    %dma_start3A_179 = tpu.memref_squeeze %dma_start3A_178 : memref<1x32x768xf32, #tpu.memory_space<hbm>> -> memref<32x768xf32, #tpu.memory_space<hbm>>
    tpu.enqueue_dma source(%arg7 : memref<32x768xf32, #tpu.memory_space<vmem>>) target(%dma_start3A_179 : memref<32x768xf32, #tpu.memory_space<hbm>>) target_semaphore(%arg17 : memref<!tpu.dma_semaphore, #tpu.memory_space<semaphore_mem>>)
    %dma_wait3A_180 = arith.constant 224 : i32
    %dma_wait3A_181 = tpu.memref_slice %arg5[%dma_wait3A_180] : memref<256xi32, #tpu.memory_space<vmem>> -> memref<32xi32, #tpu.memory_space<vmem>>
    %dma_wait3A_182 = arith.constant 0 : i32
    %dma_wait3A_183 = arith.constant 0 : i32
    %dma_wait3A_184 = tpu.memref_slice %arg3[%dma_wait3A_182, %dma_wait3A_183] : memref<30522x768xf32, #tpu.memory_space<hbm>> -> memref<30522x768xf32, #tpu.memory_space<hbm>>
    tpu.wait_indirect_dma semaphore(%arg13 : memref<!tpu.dma_semaphore, #tpu.memory_space<semaphore_mem>>) src(%dma_wait3A_184 : memref<30522x768xf32, #tpu.memory_space<hbm>>) dst(%arg8 : memref<32x768xf32, #tpu.memory_space<vmem>>)
    %add3A_185 = arith.constant 224 : i32
    %add3A_186 = arith.addi %mul3A_32, %add3A_185 : i32
    %dma_start3A_187 = arith.constant 0 : i32
    %dma_start3A_188 = tpu.memref_slice %arg4[%select_n3A, %add3A_186, %dma_start3A_187] : memref<4x2048x768xf32, #tpu.memory_space<hbm>> -> memref<1x32x768xf32, #tpu.memory_space<hbm>>
    %dma_start3A_189 = tpu.memref_squeeze %dma_start3A_188 : memref<1x32x768xf32, #tpu.memory_space<hbm>> -> memref<32x768xf32, #tpu.memory_space<hbm>>
    %dma_start3A_190 = arith.constant 0 : i32
    %dma_start3A_191 = tpu.memref_slice %arg4[%select_n3A, %add3A_186, %dma_start3A_190] : memref<4x2048x768xf32, #tpu.memory_space<hbm>> -> memref<1x32x768xf32, #tpu.memory_space<hbm>>
    %dma_start3A_192 = tpu.memref_squeeze %dma_start3A_191 : memref<1x32x768xf32, #tpu.memory_space<hbm>> -> memref<32x768xf32, #tpu.memory_space<hbm>>
    tpu.enqueue_dma source(%arg8 : memref<32x768xf32, #tpu.memory_space<vmem>>) target(%dma_start3A_192 : memref<32x768xf32, #tpu.memory_space<hbm>>) target_semaphore(%arg18 : memref<!tpu.dma_semaphore, #tpu.memory_space<semaphore_mem>>)
    %dma_wait3A_193 = arith.constant 0 : i32
    %dma_wait3A_194 = tpu.memref_slice %arg4[%select_n3A, %add3A_134, %dma_wait3A_193] : memref<4x2048x768xf32, #tpu.memory_space<hbm>> -> memref<1x32x768xf32, #tpu.memory_space<hbm>>
    %dma_wait3A_195 = tpu.memref_squeeze %dma_wait3A_194 : memref<1x32x768xf32, #tpu.memory_space<hbm>> -> memref<32x768xf32, #tpu.memory_space<hbm>>
    %dma_wait3A_196 = arith.constant 0 : i32
    %dma_wait3A_197 = tpu.memref_slice %arg4[%select_n3A, %add3A_134, %dma_wait3A_196] : memref<4x2048x768xf32, #tpu.memory_space<hbm>> -> memref<1x32x768xf32, #tpu.memory_space<hbm>>
    %dma_wait3A_198 = tpu.memref_squeeze %dma_wait3A_197 : memref<1x32x768xf32, #tpu.memory_space<hbm>> -> memref<32x768xf32, #tpu.memory_space<hbm>>
    tpu.wait_dma2 semaphore(%arg19 : memref<!tpu.dma_semaphore, #tpu.memory_space<semaphore_mem>>) src(%arg9 : memref<32x768xf32, #tpu.memory_space<vmem>>) dst(%dma_wait3A_198 : memref<32x768xf32, #tpu.memory_space<hbm>>)
    %dma_wait3A_199 = arith.constant 0 : i32
    %dma_wait3A_200 = tpu.memref_slice %arg4[%select_n3A, %add3A_147, %dma_wait3A_199] : memref<4x2048x768xf32, #tpu.memory_space<hbm>> -> memref<1x32x768xf32, #tpu.memory_space<hbm>>
    %dma_wait3A_201 = tpu.memref_squeeze %dma_wait3A_200 : memref<1x32x768xf32, #tpu.memory_space<hbm>> -> memref<32x768xf32, #tpu.memory_space<hbm>>
    %dma_wait3A_202 = arith.constant 0 : i32
    %dma_wait3A_203 = tpu.memref_slice %arg4[%select_n3A, %add3A_147, %dma_wait3A_202] : memref<4x2048x768xf32, #tpu.memory_space<hbm>> -> memref<1x32x768xf32, #tpu.memory_space<hbm>>
    %dma_wait3A_204 = tpu.memref_squeeze %dma_wait3A_203 : memref<1x32x768xf32, #tpu.memory_space<hbm>> -> memref<32x768xf32, #tpu.memory_space<hbm>>
    tpu.wait_dma2 semaphore(%arg20 : memref<!tpu.dma_semaphore, #tpu.memory_space<semaphore_mem>>) src(%arg10 : memref<32x768xf32, #tpu.memory_space<vmem>>) dst(%dma_wait3A_204 : memref<32x768xf32, #tpu.memory_space<hbm>>)
    %dma_wait3A_205 = arith.constant 0 : i32
    %dma_wait3A_206 = tpu.memref_slice %arg4[%select_n3A, %add3A_160, %dma_wait3A_205] : memref<4x2048x768xf32, #tpu.memory_space<hbm>> -> memref<1x32x768xf32, #tpu.memory_space<hbm>>
    %dma_wait3A_207 = tpu.memref_squeeze %dma_wait3A_206 : memref<1x32x768xf32, #tpu.memory_space<hbm>> -> memref<32x768xf32, #tpu.memory_space<hbm>>
    %dma_wait3A_208 = arith.constant 0 : i32
    %dma_wait3A_209 = tpu.memref_slice %arg4[%select_n3A, %add3A_160, %dma_wait3A_208] : memref<4x2048x768xf32, #tpu.memory_space<hbm>> -> memref<1x32x768xf32, #tpu.memory_space<hbm>>
    %dma_wait3A_210 = tpu.memref_squeeze %dma_wait3A_209 : memref<1x32x768xf32, #tpu.memory_space<hbm>> -> memref<32x768xf32, #tpu.memory_space<hbm>>
    tpu.wait_dma2 semaphore(%arg16 : memref<!tpu.dma_semaphore, #tpu.memory_space<semaphore_mem>>) src(%arg6 : memref<32x768xf32, #tpu.memory_space<vmem>>) dst(%dma_wait3A_210 : memref<32x768xf32, #tpu.memory_space<hbm>>)
    %dma_wait3A_211 = arith.constant 0 : i32
    %dma_wait3A_212 = tpu.memref_slice %arg4[%select_n3A, %add3A_173, %dma_wait3A_211] : memref<4x2048x768xf32, #tpu.memory_space<hbm>> -> memref<1x32x768xf32, #tpu.memory_space<hbm>>
    %dma_wait3A_213 = tpu.memref_squeeze %dma_wait3A_212 : memref<1x32x768xf32, #tpu.memory_space<hbm>> -> memref<32x768xf32, #tpu.memory_space<hbm>>
    %dma_wait3A_214 = arith.constant 0 : i32
    %dma_wait3A_215 = tpu.memref_slice %arg4[%select_n3A, %add3A_173, %dma_wait3A_214] : memref<4x2048x768xf32, #tpu.memory_space<hbm>> -> memref<1x32x768xf32, #tpu.memory_space<hbm>>
    %dma_wait3A_216 = tpu.memref_squeeze %dma_wait3A_215 : memref<1x32x768xf32, #tpu.memory_space<hbm>> -> memref<32x768xf32, #tpu.memory_space<hbm>>
    tpu.wait_dma2 semaphore(%arg17 : memref<!tpu.dma_semaphore, #tpu.memory_space<semaphore_mem>>) src(%arg7 : memref<32x768xf32, #tpu.memory_space<vmem>>) dst(%dma_wait3A_216 : memref<32x768xf32, #tpu.memory_space<hbm>>)
    %dma_wait3A_217 = arith.constant 0 : i32
    %dma_wait3A_218 = tpu.memref_slice %arg4[%select_n3A, %add3A_186, %dma_wait3A_217] : memref<4x2048x768xf32, #tpu.memory_space<hbm>> -> memref<1x32x768xf32, #tpu.memory_space<hbm>>
    %dma_wait3A_219 = tpu.memref_squeeze %dma_wait3A_218 : memref<1x32x768xf32, #tpu.memory_space<hbm>> -> memref<32x768xf32, #tpu.memory_space<hbm>>
    %dma_wait3A_220 = arith.constant 0 : i32
    %dma_wait3A_221 = tpu.memref_slice %arg4[%select_n3A, %add3A_186, %dma_wait3A_220] : memref<4x2048x768xf32, #tpu.memory_space<hbm>> -> memref<1x32x768xf32, #tpu.memory_space<hbm>>
    %dma_wait3A_222 = tpu.memref_squeeze %dma_wait3A_221 : memref<1x32x768xf32, #tpu.memory_space<hbm>> -> memref<32x768xf32, #tpu.memory_space<hbm>>
    tpu.wait_dma2 semaphore(%arg18 : memref<!tpu.dma_semaphore, #tpu.memory_space<semaphore_mem>>) src(%arg8 : memref<32x768xf32, #tpu.memory_space<vmem>>) dst(%dma_wait3A_222 : memref<32x768xf32, #tpu.memory_space<hbm>>)
    return
  }
}

module attributes {stable_mosaic.version = 14 : i64} {
  func.func @body(%arg0: i32, %arg1: i32, %arg2: memref<1x2048x768xf32, #tpu.memory_space<vmem>>, %arg3: memref<2048x768xf32, #tpu.memory_space<vmem>>, %arg4: memref<2048x1xi32, #tpu.memory_space<vmem>>, %arg5: memref<2x768xf32, #tpu.memory_space<vmem>>, %arg6: memref<1x768xf32, #tpu.memory_space<vmem>>, %arg7: memref<1x768xf32, #tpu.memory_space<vmem>>, %arg8: memref<1x2048x768xf32, #tpu.memory_space<vmem>>) attributes {dimension_semantics = [#tpu.dimension_semantics<arbitrary>, #tpu.dimension_semantics<arbitrary>], iteration_bounds = array<i64: 1, 4>, scalar_prefetch = 0 : i64, scratch_operands = 0 : i64, tpu.core_type = #tpu.core_type<tc>, window_params = [{transform_indices = @transform_0, window_bounds = array<i64: 1, 2048, 768>}, {transform_indices = @transform_1, window_bounds = array<i64: 2048, 768>}, {transform_indices = @transform_2, window_bounds = array<i64: 2048, 1>}, {pipeline_mode = #tpu.pipeline_mode<synchronous>, transform_indices = @transform_3, window_bounds = array<i64: 2, 768>}, {pipeline_mode = #tpu.pipeline_mode<synchronous>, transform_indices = @transform_4, window_bounds = array<i64: 1, 768>}, {pipeline_mode = #tpu.pipeline_mode<synchronous>, transform_indices = @transform_5, window_bounds = array<i64: 1, 768>}, {transform_indices = @transform_6, window_bounds = array<i64: 1, 2048, 768>}]} {
    %get3A = arith.constant 0 : index
    %get3A_0 = arith.constant 0 : index
    %get3A_1 = arith.constant 0 : index
    %get3A_2 = vector.load %arg2[%get3A, %get3A_0, %get3A_1] : memref<1x2048x768xf32, #tpu.memory_space<vmem>>, vector<1x2048x768xf32>
    %get3A_3 = vector.shape_cast %get3A_2 : vector<1x2048x768xf32> to vector<2048x768xf32>
    %get3A_4 = arith.constant 0 : index
    %get3A_5 = arith.constant 0 : index
    %get3A_6 = vector.load %arg3[%get3A_4, %get3A_5] : memref<2048x768xf32, #tpu.memory_space<vmem>>, vector<2048x768xf32>
    %add3A = arith.addf %get3A_3, %get3A_6 : vector<2048x768xf32>
    %get3A_7 = arith.constant 0 : index
    %get3A_8 = arith.constant 0 : index
    %get3A_9 = vector.load %arg4[%get3A_7, %get3A_8] : memref<2048x1xi32, #tpu.memory_space<vmem>>, vector<2048x1xi32>
    %get3A_10 = arith.constant 0 : index
    %get3A_11 = arith.constant 0 : index
    %get3A_12 = vector.load %arg5[%get3A_10, %get3A_11] : memref<2x768xf32, #tpu.memory_space<vmem>>, vector<1x768xf32>
    %get3A_13 = vector.shape_cast %get3A_12 : vector<1x768xf32> to vector<768xf32>
    %broadcast_in_dim3A = vector.shape_cast %get3A_13 : vector<768xf32> to vector<1x768xf32>
    %get3A_14 = arith.constant 1 : index
    %get3A_15 = arith.constant 0 : index
    %get3A_16 = vector.load %arg5[%get3A_14, %get3A_15] : memref<2x768xf32, #tpu.memory_space<vmem>>, vector<1x768xf32>
    %get3A_17 = vector.shape_cast %get3A_16 : vector<1x768xf32> to vector<768xf32>
    %broadcast_in_dim3A_18 = vector.shape_cast %get3A_17 : vector<768xf32> to vector<1x768xf32>
    %eq3A = arith.constant 0 : i32
    %eq3A_19 = vector.broadcast %eq3A : i32 to vector<2048x1xi32>
    %eq3A_20 = arith.cmpi eq, %get3A_9, %eq3A_19 : vector<2048x1xi32>
    %broadcast_in_dim3A_21 = vector.shape_cast %eq3A_20 : vector<2048x1xi1> to vector<2048x1xi1>
    %broadcast_in_dim3A_22 = vector.broadcast %broadcast_in_dim3A_21 : vector<2048x1xi1> to vector<2048x768xi1>
    %broadcast_in_dim3A_23 = vector.shape_cast %broadcast_in_dim3A : vector<1x768xf32> to vector<1x768xf32>
    %broadcast_in_dim3A_24 = vector.broadcast %broadcast_in_dim3A_23 : vector<1x768xf32> to vector<2048x768xf32>
    %broadcast_in_dim3A_25 = vector.shape_cast %broadcast_in_dim3A_18 : vector<1x768xf32> to vector<1x768xf32>
    %broadcast_in_dim3A_26 = vector.broadcast %broadcast_in_dim3A_25 : vector<1x768xf32> to vector<2048x768xf32>
    %select_n3A = arith.select %broadcast_in_dim3A_22, %broadcast_in_dim3A_24, %broadcast_in_dim3A_26 : vector<2048x768xi1>, vector<2048x768xf32>
    %add3A_27 = arith.addf %add3A, %select_n3A : vector<2048x768xf32>
    %reduce_sum3A = arith.constant dense<0.000000e+00> : vector<2048xf32>
    %reduce_sum3A_28 = vector.multi_reduction <add>, %add3A_27, %reduce_sum3A [1] : vector<2048x768xf32> to vector<2048xf32>
    %broadcast_in_dim3A_29 = vector.shape_cast %reduce_sum3A_28 : vector<2048xf32> to vector<2048x1xf32>
    %div3A = arith.constant 7.680000e+02 : f32
    %div3A_30 = vector.broadcast %div3A : f32 to vector<2048x1xf32>
    %div3A_31 = arith.divf %broadcast_in_dim3A_29, %div3A_30 : vector<2048x1xf32>
    %sub3A = vector.broadcast %div3A_31 : vector<2048x1xf32> to vector<2048x768xf32>
    %sub3A_32 = arith.subf %add3A_27, %sub3A : vector<2048x768xf32>
    %mul3A = arith.mulf %sub3A_32, %sub3A_32 : vector<2048x768xf32>
    %reduce_sum3A_33 = arith.constant dense<0.000000e+00> : vector<2048xf32>
    %reduce_sum3A_34 = vector.multi_reduction <add>, %mul3A, %reduce_sum3A_33 [1] : vector<2048x768xf32> to vector<2048xf32>
    %broadcast_in_dim3A_35 = vector.shape_cast %reduce_sum3A_34 : vector<2048xf32> to vector<2048x1xf32>
    %div3A_36 = arith.constant 7.680000e+02 : f32
    %div3A_37 = vector.broadcast %div3A_36 : f32 to vector<2048x1xf32>
    %div3A_38 = arith.divf %broadcast_in_dim3A_35, %div3A_37 : vector<2048x1xf32>
    %add3A_39 = arith.constant 9.99999996E-13 : f32
    %add3A_40 = vector.broadcast %add3A_39 : f32 to vector<2048x1xf32>
    %add3A_41 = arith.addf %div3A_38, %add3A_40 : vector<2048x1xf32>
    %rsqrt3A = math.rsqrt %add3A_41 : vector<2048x1xf32>
    %get3A_42 = arith.constant 0 : index
    %get3A_43 = arith.constant 0 : index
    %get3A_44 = vector.load %arg6[%get3A_42, %get3A_43] : memref<1x768xf32, #tpu.memory_space<vmem>>, vector<1x768xf32>
    %mul3A_45 = vector.broadcast %rsqrt3A : vector<2048x1xf32> to vector<2048x768xf32>
    %mul3A_46 = arith.mulf %sub3A_32, %mul3A_45 : vector<2048x768xf32>
    %mul3A_47 = vector.broadcast %get3A_44 : vector<1x768xf32> to vector<2048x768xf32>
    %mul3A_48 = arith.mulf %mul3A_47, %mul3A_46 : vector<2048x768xf32>
    %get3A_49 = arith.constant 0 : index
    %get3A_50 = arith.constant 0 : index
    %get3A_51 = vector.load %arg7[%get3A_49, %get3A_50] : memref<1x768xf32, #tpu.memory_space<vmem>>, vector<1x768xf32>
    %add3A_52 = vector.broadcast %get3A_51 : vector<1x768xf32> to vector<2048x768xf32>
    %add3A_53 = arith.addf %mul3A_48, %add3A_52 : vector<2048x768xf32>
    %swap3A = arith.constant 0 : index
    %swap3A_54 = arith.constant 0 : index
    %swap3A_55 = arith.constant 0 : index
    %swap3A_56 = vector.load %arg8[%swap3A, %swap3A_54, %swap3A_55] : memref<1x2048x768xf32, #tpu.memory_space<vmem>>, vector<1x2048x768xf32>
    %swap3A_57 = vector.shape_cast %swap3A_56 : vector<1x2048x768xf32> to vector<2048x768xf32>
    %swap3A_58 = vector.shape_cast %add3A_53 : vector<2048x768xf32> to vector<1x2048x768xf32>
    tpu.vector_store %arg8[%swap3A, %swap3A_54, %swap3A_55], %swap3A_58 {strides = array<i32>} : memref<1x2048x768xf32, #tpu.memory_space<vmem>>, vector<1x2048x768xf32>,
    return
  }
  func.func @transform_0(%arg0: i32, %arg1: i32) -> (i32, i32, i32) {
    %c0_i32 = arith.constant 0 : i32
    %c0_i32_0 = arith.constant 0 : i32
    return %arg1, %arg0, %c0_i32 : i32, i32, i32
  }
  func.func @transform_1(%arg0: i32, %arg1: i32) -> (i32, i32) {
    %c0_i32 = arith.constant 0 : i32
    %c0_i32_0 = arith.constant 0 : i32
    return %arg0, %c0_i32 : i32, i32
  }
  func.func @transform_2(%arg0: i32, %arg1: i32) -> (i32, i32) {
    %mul3A = arith.constant 1 : i32
    %mul3A_0 = arith.muli %arg1, %mul3A : i32
    %add3A = arith.addi %mul3A_0, %arg0 : i32
    %c0_i32 = arith.constant 0 : i32
    %c0_i32_1 = arith.constant 0 : i32
    return %add3A, %c0_i32 : i32, i32
  }
  func.func @transform_3(%arg0: i32, %arg1: i32) -> (i32, i32) {
    %c0_i32 = arith.constant 0 : i32
    %c0_i32_0 = arith.constant 0 : i32
    %c0_i32_1 = arith.constant 0 : i32
    return %c0_i32, %c0_i32_0 : i32, i32
  }
  func.func @transform_4(%arg0: i32, %arg1: i32) -> (i32, i32) {
    %c0_i32 = arith.constant 0 : i32
    %c0_i32_0 = arith.constant 0 : i32
    %c0_i32_1 = arith.constant 0 : i32
    return %c0_i32, %c0_i32_0 : i32, i32
  }
  func.func @transform_5(%arg0: i32, %arg1: i32) -> (i32, i32) {
    %c0_i32 = arith.constant 0 : i32
    %c0_i32_0 = arith.constant 0 : i32
    %c0_i32_1 = arith.constant 0 : i32
    return %c0_i32, %c0_i32_0 : i32, i32
  }
  func.func @transform_6(%arg0: i32, %arg1: i32) -> (i32, i32, i32) {
    %c0_i32 = arith.constant 0 : i32
    %c0_i32_0 = arith.constant 0 : i32
    return %arg1, %arg0, %c0_i32 : i32, i32, i32
  }
}

</mosaic_0001>

<sc_bundles>
// kernel: kernel.4.cloned.1.call-start
scs
__scs_entry_jumppad:
0x0: {  	(pc) =	sbr.rel $0x88, $3  }
0x1: {  	(tag) =	ssettag $0x0;
	lr =	simm.s32 $0x1  }
0x2: {  	[smem:$0x3F9A] =	sst lr;
	_ =	strace $0xD0000000  }
0x3: {  	_ = 	snop  }
0x4: {  	_ = 	snop  }
0x5: {  	_ = 	snop  }
0x6: {  	_ = 	snop  }
0x7: {  	_ = 	snop  }
__scs_overlays_trampoline_lowered:
0x8: {  	[smem:$0x3FA9] =	sst s0  }
0x9: {  	[smem:$0x3FAA] =	sst s1  }
0xa: {  	[smem:$0x3FAB] =	sst s2  }
0xb: {  	[smem:$0x3FAC] =	sst s3  }
0xc: {  	[smem:$0x3FAD] =	sst s4  }
0xd: {  	[smem:$0x3FAE] =	sst s5  }
0xe: {  	[smem:$0x3FAF] =	sst s6  }
0xf: {  	[smem:$0x3FB0] =	sst s7  }
0x10: {  	[smem:$0x3FB1] =	sst s8  }
0x11: {  	[smem:$0x3FB2] =	sst s9;
	s0 =	simm.s32 @!p0 $0x0  }
0x12: {  	s1 =	sld [smem:$0x3F98];
	s0 =	simm.s32 @p0 $0x1  }
0x13: {  	[smem:$0x3FB3] =	sst s0;
	s0 =	simm.s32 @!p1 $0x0  }
0x14: {  	s2 =	sld [smem:$0x3F97];
	s0 =	simm.s32 @p1 $0x1  }
0x15: {  	[smem:$0x3FB4] =	sst s0;
	s0 =	simm.s32 @!p2 $0x0  }
0x16: {  	s3 =	sld [smem:$0x3FDB];
	s0 =	simm.s32 @p2 $0x1  }
0x17: {  	s4 =	simm.s32 $0x1BF5;
	[smem:$0x3FB6] =	sst s0  }
0x18: {  	s0 =	sld [smem:$0x3F99];
	_ =	swait.ge [sflag:s4], $0x0  }
0x19: {  	s7 =	sld [smem:$0x3F9A]  }
0x1a: {  	s8 =	sadd.s32 $0xFFFFE003, lr  }
0x1b: {  	s9 =	sadd.s32 $0xFFFFFEF7, lr;
	s5 =	simm.s32 $0xFFFFFFFF;
	p2 =	slt.u32 s8, $0xFFFFF086  }
0x1c: {  	p1 =	slt.u32 s9, $0xF7A;
	s5 =	simm.s32 @!p2 $0x0  }
0x1d: {  	s5 =	simm.s32 @p1 $0x1;
	p0 =	seq.s32 s7, s2  }
0x1e: {  	s7 =	smul.u32 @!p0 $0xF7A, s2;
	p2 =	seq.s32 @!p0 s5, $0x0  }
0x1f: {  	s9 =	smul.u32 $0xF7A, s1;
	s8 =	simm.s32 @!p0 $0x1BF5;
	p2 =	por !p2, p0  }
0x20: {  	[sflag:s8] =	ssyncset.s32 @!p0 $0xFFFFF086;
	s6 =	sadd.s32 @!p0 s3, s7;
	s7 =	simm.s32 @!p0 $0x108  }
0x21: {  	s3 =	sadd.s32 s3, s9;
	s6 =	sadd.s32 @!p0 $0x88, s6;
	s7 =	simm.s32 @p2 $0x1082  }
0x22: {  	[simem:s7], [sflag:s8] =	dma.local @!p0 [hbm:s6], $0xF7A  }
0x23: {  	s9 =	sor.u32 $0xD0000000, s2;
	s6 =	simm.s32 $0x108;
	_ =	swait.ge @!p0 [sflag:s8], $0x0  }
0x24: {  	s3 =	sadd.s32 $0x88, s3;
	s6 =	simm.s32 @!p1 $0x1082;
	[sflag:s4] =	ssyncset.s32 $0xFFFFF086  }
0x25: {  	[simem:s6], [sflag:s4] =	dma.local [hbm:s3], $0xF7A  }
0x26: {  	[smem:$0x3F9A] =	sst s1;
	(tag) =	ssettag s2;
	_ =	strace s9  }
0x27: {  	s1 =	sld [smem:$0x3FAA]  }
0x28: {  	s2 =	sld [smem:$0x3FAB]  }
0x29: {  	s4 =	sld [smem:$0x3FAD]  }
0x2a: {  	p0 =	seq.s32 s5, $0x0;
	s5 =	sld [smem:$0x3FAE]  }
0x2b: {  	s6 =	sld [smem:$0x3FAF]  }
0x2c: {  	s7 =	sld [smem:$0x3FB0]  }
0x2d: {  	s3 =	simm.s32 $0x108;
	s8 =	sld [smem:$0x3FB1]  }
0x2e: {  	s3 =	simm.s32 @!p0 $0x1082;
	s9 =	sld [smem:$0x3FB2]  }
0x2f: {  	lr =	sadd.s32 s0, s3;
	s0 =	sld [smem:$0x3FA9]  }
0x30: {  	s3 =	sld [smem:$0x3FAC]  }
0x31: {  	[smem:$0x3FB5] =	sst s10  }
0x32: {  	s10 =	sld [smem:$0x3FB3];
	_ =	sdelay $0x3  }
0x33: {  	p0 =	seq.s32 s10, $0x1;
	s10 =	sld [smem:$0x3FB5];
	_ =	sdelay $0x3  }
0x34: {  	[smem:$0x3FB5] =	sst s10  }
0x35: {  	s10 =	sld [smem:$0x3FB4];
	_ =	sdelay $0x3  }
0x36: {  	p1 =	seq.s32 s10, $0x1;
	s10 =	sld [smem:$0x3FB5];
	_ =	sdelay $0x3  }
0x37: {  	[smem:$0x3FB5] =	sst s10  }
0x38: {  	s10 =	sld [smem:$0x3FB6]  }
0x39: {  	_ = 	snop;
	(pc) =	sbr.ind lr, $3  }
0x3a: {  	_ = 	snop  }
0x3b: {  	_ = 	snop  }
0x3c: {  	p2 =	seq.s32 s10, $0x1;
	s10 =	sld [smem:$0x3FB5]  }
0x3d: {  	_ =	shalt  }
0x3e: {  	_ =	shalt  }
0x3f: {  	_ =	shalt  }
0x40: {  	_ =	shalt  }
0x41: {  	_ =	shalt  }
0x42: {  	_ =	shalt  }
0x43: {  	_ =	shalt  }
0x44: {  	_ =	shalt  }
0x45: {  	_ =	shalt  }
0x46: {  	_ =	shalt  }
0x47: {  	_ =	shalt  }
0x48: {  	_ =	shalt  }
0x49: {  	_ =	shalt  }
0x4a: {  	_ =	shalt  }
0x4b: {  	_ =	shalt  }
0x4c: {  	_ =	shalt  }
0x4d: {  	_ =	shalt  }
0x4e: {  	_ =	shalt  }
0x4f: {  	_ =	shalt  }
0x50: {  	_ =	shalt  }
0x51: {  	_ =	shalt  }
0x52: {  	_ =	shalt  }
0x53: {  	_ =	shalt  }
0x54: {  	_ =	shalt  }
0x55: {  	_ =	shalt  }
0x56: {  	_ =	shalt  }
0x57: {  	_ =	shalt  }
0x58: {  	_ =	shalt  }
0x59: {  	_ =	shalt  }
0x5a: {  	_ =	shalt  }
0x5b: {  	_ =	shalt  }
0x5c: {  	_ =	shalt  }
0x5d: {  	_ =	shalt  }
0x5e: {  	_ =	shalt  }
0x5f: {  	_ =	shalt  }
0x60: {  	_ =	shalt  }
0x61: {  	_ =	shalt  }
0x62: {  	_ =	shalt  }
0x63: {  	_ =	shalt  }
0x64: {  	_ =	shalt  }
0x65: {  	_ =	shalt  }
0x66: {  	_ =	shalt  }
0x67: {  	_ =	shalt  }
0x68: {  	_ =	shalt  }
0x69: {  	_ =	shalt  }
0x6a: {  	_ =	shalt  }
0x6b: {  	_ =	shalt  }
0x6c: {  	_ =	shalt  }
0x6d: {  	_ =	shalt  }
0x6e: {  	_ =	shalt  }
0x6f: {  	_ =	shalt  }
0x70: {  	_ =	shalt  }
0x71: {  	_ =	shalt  }
0x72: {  	_ =	shalt  }
0x73: {  	_ =	shalt  }
0x74: {  	_ =	shalt  }
0x75: {  	_ =	shalt  }
0x76: {  	_ =	shalt  }
0x77: {  	_ =	shalt  }
0x78: {  	_ =	shalt  }
0x79: {  	_ =	shalt  }
0x7a: {  	_ =	shalt  }
0x7b: {  	_ =	shalt  }
0x7c: {  	_ =	shalt  }
0x7d: {  	_ =	shalt  }
0x7e: {  	_ =	shalt  }
0x7f: {  	_ =	shalt  }
0x80: {  	_ =	shalt  }
0x81: {  	_ =	shalt  }
0x82: {  	_ =	shalt  }
0x83: {  	_ =	shalt  }
0x84: {  	_ =	shalt  }
0x85: {  	_ =	shalt  }
0x86: {  	_ =	shalt  }
0x87: {  	_ =	shalt  }
.Lfunc_end0:
.L_simem_size_0:
called_computation_lowered:
.L_overlay_start_0:
0x88: {  	s2 =	sld [smem:$0x3FD9]  }
0x89: {  	s3 =	sld [smem:$0x3FFE];
	_ =	sdelay $0x1  }
0x8a: {  	s1 =	srdreg.scid  }
0x8b: {  	s0 =	sand.u32 $0x1, s1  }
0x8c: {  	s17 =	sshll.u32 s0, $0xA;
	s2 =	sadd.s32 s3, s2  }
0x8d: {  	s2 =	sadd.s32 s2, s17  }
0x8e: {  	[smem:$0x3FC1] =	sst s2  }
0x8f: {  	_ = 	snop  }
0x90: {  	s2 =	sld [smem:$0x3FC9]  }
0x91: {  	s18 =	sld [smem:$0x3FC7];
	(tm) =	ssettm $0x1  }
0x92: {  	s4 =	sld [smem:$0x3FFB];
	_ =	sdelay $0x3  }
0x93: {  	_ =	strace s4  }
0x94: {  	s4 =	sld [smem:$0x3FFC];
	_ =	sdelay $0x3  }
0x95: {  	_ =	strace s4  }
0x96: {  	s4 =	sld [smem:$0x3FFD];
	_ =	sdelay $0x3  }
0x97: {  	_ =	strace s4  }
0x98: {  	_ =	strace $0x8FFFFFFF  }
0x99: {  	s19 =	sld [smem:$0x3FDB];
	_ =	sdelay $0x1  }
0x9a: {  	s5 =	simm.s32 $_scs_section_size  }
0x9b: {  	s6 =	simm.s32 $_size__tile_overlayer_lowered;
	s7 =	simm.s32 $_tile_overlayer_lowered  }
0x9c: {  	s22 =	simm.s32 $0x1BFF;
	s21 =	sshll.u32 s7, $0x1;
	s4 =	sadd.s32 s5, s19  }
0x9d: {  	s8 =	simm.s32 $0x0;
	s20 =	sshll.u32 s6, $0x1;
	s6 =	sadd.s32 s21, s4  }
0x9e: {  	[timem:s8], [sflag:s22] =	dma.local [hbm:s6], s20  }
0x9f: {  	_ =	swait.ge [sflag:s22], s20  }
0xa0: {  	s5 =	ssub.s32 $0x0, s20;
	[sflag:s22] =	ssyncset.done $0x0  }
0xa1: {  	[sflag:s22] =	ssyncadd.s32 s5;
	_ =	sdelay $0x1  }
0xa2: {  	s23 =	simm.s32 $0x1B8B  }
0xa3: {  	_ =	swait.ge [sflag:s23], $0x1  }
0xa4: {  	[sflag:s23] =	ssyncset.done $0x0  }
0xa5: {  	s25 =	simm.s32 $0x1B8E;
	s24 =	sld [smem:$0x3FFE];
	[sflag:s23] =	ssyncadd.s32 $0xFFFFFFFF  }
0xa6: {  	s26 =	simm.s32 $execute0_lowered;
	[smem:$0x3FD2] =	sst s25  }
0xa7: {  	s6 =	sshll.u32 s26, $0x1;
	_ =	strace $0x80000046;
	[dreg:$0x1] =	wrdreg $0xFFFFFFFF  }
0xa8: {  	s28 =	simm.s32 $_size_execute0_lowered;
	s4 =	sadd.s32 s4, s6;
	[dreg:$0x0] =	wrdreg $0x0  }
0xa9: {  	s6 =	sshll.u32 s28, $0x1;
	[dreg:$0x2] =	wrdreg s4  }
0xaa: {  	[dreg:$0x3] =	wrdreg s6  }
0xab: {  	[dreg:$0x4] =	wrdreg $0xC0  }
0xac: {  	_ =	task [dreg:s8], $0x5FFFF  }
0xad: {  	[dreg:$0x1] =	wrdreg $0xFFFFFFFF  }
0xae: {  	[dreg:$0x0] =	wrdreg $0x60  }
0xaf: {  	[dreg:$0x2] =	wrdreg s2  }
0xb0: {  	[dreg:$0x3] =	wrdreg s18  }
0xb1: {  	[dreg:$0x4] =	wrdreg s24  }
0xb2: {  	[dreg:$0x5] =	wrdreg $0x9  }
0xb3: {  	_ =	task.clear_ibuf [dreg:s8], $0x6FFFF;
	_ =	strace $0x90000046  }
0xb4: {  	s29 =	simm.s32 $0x9;
	_ =	strace $0x80000048  }
0xb5: {  	_ =	swait.ge [sflag:s29], $0x1  }
0xb6: {  	[sflag:s29] =	ssyncadd.s32 $0xFFFFFFFF  }
0xb7: {  	_ =	strace $0x90000048  }
0xb8: {  	_ =	sfence  }
0xb9: {  	s30 =	sld [smem:$0x0];
	_ =	sdelay $0x2  }
0xba: {  	s31 =	sshll.u32 s1, $0xD;
	s1 =	sshrl.u32 s1, $0x2  }
0xbb: {  	s3 =	sand.u32 $0x4000, s31;
	s1 =	sadd.s32 s1, s30  }
0xbc: {  	s0 =	sor.u32 s3, s0;
	s1 =	sshll.u32 s1, $0x11  }
0xbd: {  	s0 =	sor.u32 s1, s0  }
0xbe: {  	s0 =	sadd.s32 $0x8F2B, s0  }
0xbf: {  	[sflag:s0] =	ssyncadd.remote.s32 $0x1  }
0xc0: {  	_ =	sfence.sel $0xFFFF  }
0xc1: {  	[dreg:$0x0] =	wrdreg $0xFFFFFFFF;
	(pc) =	sbr.abs _section_cstart, $3  }
0xc2: {  	[dreg:$0x1] =	wrdreg $0xFFFFFFFF  }
0xc3: {  	_ =	task.clear_ibuf [dreg:s8], $0x2FFFF;
	_ =	strace $0x9FFFFFFF  }
0xc4: {  	(tm) =	ssettm $0x7FFFFFFF  }
0xc5: {  	_ =	shalt  }
tec
execute0_lowered:
.L_overlay_start_1:
0x0: {  	(tag) =	ssettag $0x1  }
0x1: {  	s4 =	stileid.u32  }
0x2: {  	s0 =	rddreg [dreg:$0x0];
	s1 =	srdreg.scid;
	s2 =	sshll.u32 s4, $0x1  }
0x3: {  	s7 =	rddreg [dreg:$0x2];
	s1 =	sand.u32 $0x1, s1;
	s3 =	sand.u32 $0x6, s2  }
0x4: {  	s2 =	rddreg [dreg:$0x1];
	s5 =	sor.u32 s1, s3;
	s3 =	simm.s32 $0x0  }
0x5: {  	s24 =	simm.s32 $0x80;
	[smem:$0x7FF] =	sst s3  }
0x6: {  	s25 =	simm.s32 $0x200;
	_ =	strace $0x80000047;
	[dreg:$0xd] =	wrdreg s24  }
0x7: {  	s9 =	simm.s32 $0x14900;
	s10 =	simm.s32 $0x15100;
	[dreg:$0xe] =	wrdreg s25  }
0x8: {  	s11 =	simm.s32 $0x15900;
	s12 =	simm.s32 $0x16100;
	[dreg:$0x13] =	wrdreg s9  }
0x9: {  	s13 =	simm.s32 $0x16900;
	s4 =	sshrl.u32 s4, $0x2;
	[dreg:$0x14] =	wrdreg s10  }
0xa: {  	s6 =	smul.u32 $0x180000, s4;
	s4 =	sshll.u32 s4, $0x4;
	[dreg:$0x15] =	wrdreg s11  }
0xb: {  	s14 =	simm.s32 $0x17100;
	s0 =	sadd.s32 s0, s4;
	[dreg:$0x16] =	wrdreg s12  }
0xc: {  	s8 =	smul.u32 $0x30000, s5;
	s5 =	sshll.u32 s5, $0x7;
	[dreg:$0x17] =	wrdreg s13  }
0xd: {  	s0 =	sadd.s32 s5, s0;
	[dreg:$0x18] =	wrdreg s14  }
0xe: {  	s1 =	ssub.s32 $0x2, s1;
	s5 =	simm.s32 $0x12900;
	[dreg:$0x4] =	wrdreg s0  }
0xf: {  	s26 =	sshrl.u32 s1, $0x1;
	s24 =	simm.s32 $0x1C900;
	[dreg:$0xf] =	wrdreg s5  }
0x10: {  	s1 =	ssub.s32 s1, s26;
	s25 =	simm.s32 $0x1D100;
	[smem:$0x7FB] =	sst s24  }
0x11: {  	s26 =	simm.s32 $0x1D900;
	s6 =	sadd.s32 s6, s8;
	[smem:$0x7FC] =	sst s25  }
0x12: {  	s8 =	simm.s32 $0x14100;
	[smem:$0x7FD] =	sst s26;
	s6 =	sshrl.u32 s6, $0x3  }
0x13: {  	[dreg:$0x12] =	wrdreg s8;
	s15 =	sadd.s32 s6, s7;
	s6 =	simm.s32 $0x13100  }
0x14: {  	s7 =	simm.s32 $0x13900;
	[dreg:$0x10] =	wrdreg s6  }
0x15: {  	s16 =	sadd.s32 $0xE00, s15;
	[dreg:$0x11] =	wrdreg s7  }
0x16: {  	s17 =	sadd.s32 $0x1A00, s15;
	[dreg:$0x5] =	wrdreg s16  }
0x17: {  	s28 =	simm.s32 $0x3;
	s18 =	sadd.s32 $0x2600, s15;
	[dreg:$0x6] =	wrdreg s17  }
0x18: {  	s29 =	simm.s32 $0x8;
	s19 =	sadd.s32 $0x3200, s15;
	[dreg:$0x7] =	wrdreg s18  }
0x19: {  	s30 =	simm.s32 $0x6900;
	s20 =	sadd.s32 $0x3E00, s15;
	[dreg:$0x8] =	wrdreg s19  }
0x1a: {  	s31 =	simm.s32 $0x7100;
	s21 =	sadd.s32 $0x4A00, s15;
	[dreg:$0x9] =	wrdreg s20  }
0x1b: {  	s4 =	sadd.s32 $0x100, s2;
	s22 =	sadd.s32 $0x5600, s15;
	[dreg:$0xa] =	wrdreg s21  }
0x1c: {  	s13 =	simm.s32 $0x1100;
	s23 =	sadd.s32 $0x6200, s15;
	[dreg:$0xb] =	wrdreg s22  }
0x1d: {  	s14 =	simm.s32 $0x1900;
	s15 =	simm.s32 $0x17900;
	[dreg:$0xc] =	wrdreg s23  }
0x1e: {  	s9 =	simm.s32 $0x8100;
	[dreg:$0x19] =	wrdreg s15;
	s16 =	simm.s32 $0x18900  }
0x1f: {  	s5 =	sadd.s32 $0x200, s2;
	s17 =	simm.s32 $0x19100;
	[dreg:$0x1a] =	wrdreg s16  }
0x20: {  	s24 =	simm.s32 $0x6;
	s18 =	simm.s32 $0x19900;
	[dreg:$0x1b] =	wrdreg s17  }
0x21: {  	s25 =	simm.s32 $0x2;
	s19 =	simm.s32 $0x1A100;
	[dreg:$0x1c] =	wrdreg s18  }
0x22: {  	s26 =	simm.s32 $0x7;
	s20 =	simm.s32 $0x1A900;
	[dreg:$0x1d] =	wrdreg s19  }
0x23: {  	s8 =	simm.s32 $0x1;
	s21 =	simm.s32 $0x1B100;
	[dreg:$0x1e] =	wrdreg s20  }
0x24: {  	s6 =	smax.u32 s1, $0x1;
	s22 =	simm.s32 $0x1B900;
	[dreg:$0x1f] =	wrdreg s21  }
0x25: {  	s23 =	simm.s32 $0x1C100;
	s15 =	simm.s32 $0x2100;
	[smem:$0x7F9] =	sst s22  }
0x26: {  	v2 =	vlaneseq.u32;
	[smem:$0x7FA] =	sst s23;
	s20 =	simm.s32 $0x100;
	s16 =	simm.s32 $0x2900  }
0x27: {  	vm0 =	vmmov $0xffff;
	v1 =	vshrl.u32 v2, $0x3;
	s17 =	simm.s32 $0x3100;
	s18 =	simm.s32 $0x3900;
	s19 =	simm.s32 $0x4100  }
0x28: {  	v0 =	vand.u32 $0x7, v2;
	v2 =	vor.u32 $0x8, v2;
	v1 =	vmul.u32 $0x8, v1;
	s21 =	simm.s32 $0x4900;
	s22 =	simm.s32 $0x5100;
	s23 =	simm.s32 $0xC100  }
.LBB2_1:
0x29: {  	s10 =	rddreg [dreg:$0x4]  }
0x2a: {  	s11 =	rddreg [dreg:$0xd]  }
0x2b: {  	s12 =	rddreg [dreg:$0xe];
	s7 =	simm.s32 $0xB  }
0x2c: {  	[tilespmem:s3], [sflag:$0xB] =	stream.strided.gather [hbm4b:s10+s11], $0x100, s12, s11, $0x38;
	[tilespmem:$0x1E100] =	vst v63  }
0x2d: {  	_ =	swait.ge [sflag:s7], $0x100  }
0x2e: {  	[sflag:s7] =	ssyncset.done $0x0  }
0x2f: {  	[sflag:s7] =	ssyncadd.s32 $0xFFFFFF00  }
0x30: {  	v3 =	vld [tilespmem:$0x0];
	_ =	sdelay $0x4  }
0x31: {  	v4 =	vshrl.u32 v3, $0x3  }
0x32: {  	v4 =	vmul.u32 $0x30, v4  }
0x33: {  	v3 =	vand.u32 $0x7, v3  }
0x34: {  	v3 =	vor.u32 v3, v4  }
0x35: {  	v4 =	vperm.xlane v3, v0;
	_ =	sdelay $0x1  }
0x36: {  	v4 =	vadd.s32 v1, v4;
	_ =	sdelay $0x3  }
0x37: {  	v3 =	vperm.xlane v3, v2  }
0x38: {  	[tilespmem:s20], [sflag:$0x1] =	stream.indirect_vreg.gather [hbm4b:s2+s3], $0x80, v4, vm0, $0xb8;
	[tilespmem:$0x1E100] =	vst v63  }
0x39: {  	s12 =	simm.s32 $0x900;
	v3 =	vadd.s32 v1, v3  }
0x3a: {  	[tilespmem:s12], [sflag:$0x1] =	stream.indirect_vreg.gather [hbm4b:s4+s3], $0x80, v4, vm0, $0xb8;
	[tilespmem:$0x1E100] =	vst v63  }
0x3b: {  	_ = 	snop  }
0x3c: {  	[tilespmem:s13], [sflag:$0x1] =	stream.indirect_vreg.gather [hbm4b:s5+s3], $0x80, v4, vm0, $0xb8;
	[tilespmem:$0x1E100] =	vst v63  }
0x3d: {  	_ = 	snop  }
0x3e: {  	[tilespmem:s14], [sflag:$0x1] =	stream.indirect_vreg.gather [hbm4b:s2+s3], $0x80, v3, vm0, $0xb8;
	[tilespmem:$0x1E100] =	vst v63  }
0x3f: {  	_ = 	snop  }
0x40: {  	[tilespmem:s15], [sflag:$0x1] =	stream.indirect_vreg.gather [hbm4b:s4+s3], $0x80, v3, vm0, $0xb8;
	[tilespmem:$0x1E100] =	vst v63  }
0x41: {  	_ = 	snop  }
0x42: {  	[tilespmem:s16], [sflag:$0x1] =	stream.indirect_vreg.gather [hbm4b:s5+s3], $0x80, v3, vm0, $0xb8;
	[tilespmem:$0x1E100] =	vst v63  }
0x43: {  	v3 =	vld [tilespmem:$0x10];
	_ =	sdelay $0x4  }
0x44: {  	v49 =	vshrl.u32 v3, $0x3  }
0x45: {  	v4 =	vmul.u32 $0x30, v49  }
0x46: {  	v3 =	vand.u32 $0x7, v3  }
0x47: {  	v3 =	vor.u32 v3, v4  }
0x48: {  	v4 =	vperm.xlane v3, v0;
	_ =	sdelay $0x1  }
0x49: {  	v4 =	vadd.s32 v1, v4;
	_ =	sdelay $0x3  }
0x4a: {  	v3 =	vperm.xlane v3, v2  }
0x4b: {  	[tilespmem:s17], [sflag:$0x1] =	stream.indirect_vreg.gather [hbm4b:s2+s3], $0x80, v4, vm0, $0xb8;
	[tilespmem:$0x1E100] =	vst v63  }
0x4c: {  	v3 =	vadd.s32 v1, v3  }
0x4d: {  	[tilespmem:s18], [sflag:$0x1] =	stream.indirect_vreg.gather [hbm4b:s4+s3], $0x80, v4, vm0, $0xb8;
	[tilespmem:$0x1E100] =	vst v63  }
0x4e: {  	_ = 	snop  }
0x4f: {  	[tilespmem:s19], [sflag:$0x1] =	stream.indirect_vreg.gather [hbm4b:s5+s3], $0x80, v4, vm0, $0xb8;
	[tilespmem:$0x1E100] =	vst v63  }
0x50: {  	_ = 	snop  }
0x51: {  	[tilespmem:s21], [sflag:$0x1] =	stream.indirect_vreg.gather [hbm4b:s2+s3], $0x80, v3, vm0, $0xb8;
	[tilespmem:$0x1E100] =	vst v63  }
0x52: {  	_ = 	snop  }
0x53: {  	[tilespmem:s22], [sflag:$0x1] =	stream.indirect_vreg.gather [hbm4b:s4+s3], $0x80, v3, vm0, $0xb8;
	[tilespmem:$0x1E100] =	vst v63  }
0x54: {  	s7 =	simm.s32 $0x5900  }
0x55: {  	[tilespmem:s7], [sflag:$0x1] =	stream.indirect_vreg.gather [hbm4b:s5+s3], $0x80, v3, vm0, $0xb8;
	[tilespmem:$0x1E100] =	vst v63  }
0x56: {  	v3 =	vld [tilespmem:$0x20];
	_ =	sdelay $0x4  }
0x57: {  	v50 =	vshrl.u32 v3, $0x3  }
0x58: {  	v4 =	vmul.u32 $0x30, v50  }
0x59: {  	v3 =	vand.u32 $0x7, v3  }
0x5a: {  	v3 =	vor.u32 v3, v4  }
0x5b: {  	v4 =	vperm.xlane v3, v0;
	_ =	sdelay $0x1  }
0x5c: {  	v4 =	vadd.s32 v1, v4;
	_ =	sdelay $0x3  }
0x5d: {  	s0 =	simm.s32 $0x6100;
	v3 =	vperm.xlane v3, v2  }
0x5e: {  	[tilespmem:s0], [sflag:$0x2] =	stream.indirect_vreg.gather [hbm4b:s2+s3], $0x80, v4, vm0, $0xb8;
	[tilespmem:$0x1E100] =	vst v63  }
0x5f: {  	v3 =	vadd.s32 v1, v3  }
0x60: {  	[tilespmem:s30], [sflag:$0x2] =	stream.indirect_vreg.gather [hbm4b:s4+s3], $0x80, v4, vm0, $0xb8;
	[tilespmem:$0x1E100] =	vst v63  }
0x61: {  	_ = 	snop  }
0x62: {  	[tilespmem:s31], [sflag:$0x2] =	stream.indirect_vreg.gather [hbm4b:s5+s3], $0x80, v4, vm0, $0xb8;
	[tilespmem:$0x1E100] =	vst v63  }
0x63: {  	s1 =	simm.s32 $0x7900  }
0x64: {  	[tilespmem:s1], [sflag:$0x2] =	stream.indirect_vreg.gather [hbm4b:s2+s3], $0x80, v3, vm0, $0xb8;
	[tilespmem:$0x1E100] =	vst v63  }
0x65: {  	_ = 	snop  }
0x66: {  	[tilespmem:s9], [sflag:$0x2] =	stream.indirect_vreg.gather [hbm4b:s4+s3], $0x80, v3, vm0, $0xb8;
	[tilespmem:$0x1E100] =	vst v63  }
0x67: {  	s11 =	simm.s32 $0x8900  }
0x68: {  	[tilespmem:s11], [sflag:$0x2] =	stream.indirect_vreg.gather [hbm4b:s5+s3], $0x80, v3, vm0, $0xb8;
	[tilespmem:$0x1E100] =	vst v63  }
0x69: {  	v3 =	vld [tilespmem:$0x30];
	_ =	sdelay $0x4  }
0x6a: {  	v51 =	vshrl.u32 v3, $0x3  }
0x6b: {  	v4 =	vmul.u32 $0x30, v51  }
0x6c: {  	v3 =	vand.u32 $0x7, v3  }
0x6d: {  	v3 =	vor.u32 v3, v4  }
0x6e: {  	v4 =	vperm.xlane v3, v0;
	_ =	sdelay $0x1  }
0x6f: {  	v4 =	vadd.s32 v1, v4;
	_ =	sdelay $0x3  }
0x70: {  	s10 =	simm.s32 $0x9100;
	v3 =	vperm.xlane v3, v2  }
0x71: {  	[tilespmem:s10], [sflag:$0x2] =	stream.indirect_vreg.gather [hbm4b:s2+s3], $0x80, v4, vm0, $0xb8;
	[tilespmem:$0x1E100] =	vst v63  }
0x72: {  	s11 =	simm.s32 $0x9900;
	v3 =	vadd.s32 v1, v3  }
0x73: {  	[tilespmem:s11], [sflag:$0x2] =	stream.indirect_vreg.gather [hbm4b:s4+s3], $0x80, v4, vm0, $0xb8;
	[tilespmem:$0x1E100] =	vst v63  }
0x74: {  	s10 =	simm.s32 $0xA100  }
0x75: {  	[tilespmem:s10], [sflag:$0x2] =	stream.indirect_vreg.gather [hbm4b:s5+s3], $0x80, v4, vm0, $0xb8;
	[tilespmem:$0x1E100] =	vst v63  }
0x76: {  	s11 =	simm.s32 $0xA900  }
0x77: {  	[tilespmem:s11], [sflag:$0x2] =	stream.indirect_vreg.gather [hbm4b:s2+s3], $0x80, v3, vm0, $0xb8;
	[tilespmem:$0x1E100] =	vst v63  }
0x78: {  	s10 =	simm.s32 $0xB100  }
0x79: {  	[tilespmem:s10], [sflag:$0x2] =	stream.indirect_vreg.gather [hbm4b:s4+s3], $0x80, v3, vm0, $0xb8;
	[tilespmem:$0x1E100] =	vst v63  }
0x7a: {  	s11 =	simm.s32 $0xB900  }
0x7b: {  	[tilespmem:s11], [sflag:$0x2] =	stream.indirect_vreg.gather [hbm4b:s5+s3], $0x80, v3, vm0, $0xb8;
	[tilespmem:$0x1E100] =	vst v63  }
0x7c: {  	v3 =	vld [tilespmem:$0x40];
	_ =	sdelay $0x4  }
0x7d: {  	v52 =	vshrl.u32 v3, $0x3  }
0x7e: {  	v4 =	vmul.u32 $0x30, v52  }
0x7f: {  	v3 =	vand.u32 $0x7, v3  }
0x80: {  	v3 =	vor.u32 v3, v4  }
0x81: {  	v4 =	vperm.xlane v3, v0;
	_ =	sdelay $0x1  }
0x82: {  	v4 =	vadd.s32 v1, v4;
	_ =	sdelay $0x3  }
0x83: {  	v3 =	vperm.xlane v3, v2  }
0x84: {  	[tilespmem:s23], [sflag:$0x3] =	stream.indirect_vreg.gather [hbm4b:s2+s3], $0x80, v4, vm0, $0xb8;
	[tilespmem:$0x1E100] =	vst v63  }
0x85: {  	s10 =	simm.s32 $0xC900;
	v3 =	vadd.s32 v1, v3  }
0x86: {  	[tilespmem:s10], [sflag:$0x3] =	stream.indirect_vreg.gather [hbm4b:s4+s3], $0x80, v4, vm0, $0xb8;
	[tilespmem:$0x1E100] =	vst v63  }
0x87: {  	s11 =	simm.s32 $0xD100  }
0x88: {  	[tilespmem:s11], [sflag:$0x3] =	stream.indirect_vreg.gather [hbm4b:s5+s3], $0x80, v4, vm0, $0xb8;
	[tilespmem:$0x1E100] =	vst v63  }
0x89: {  	s10 =	simm.s32 $0xD900  }
0x8a: {  	[tilespmem:s10], [sflag:$0x3] =	stream.indirect_vreg.gather [hbm4b:s2+s3], $0x80, v3, vm0, $0xb8;
	[tilespmem:$0x1E100] =	vst v63  }
0x8b: {  	s11 =	simm.s32 $0xE100  }
0x8c: {  	[tilespmem:s11], [sflag:$0x3] =	stream.indirect_vreg.gather [hbm4b:s4+s3], $0x80, v3, vm0, $0xb8;
	[tilespmem:$0x1E100] =	vst v63  }
0x8d: {  	s10 =	simm.s32 $0xE900  }
0x8e: {  	[tilespmem:s10], [sflag:$0x3] =	stream.indirect_vreg.gather [hbm4b:s5+s3], $0x80, v3, vm0, $0xb8;
	[tilespmem:$0x1E100] =	vst v63  }
0x8f: {  	v3 =	vld [tilespmem:$0x50];
	_ =	sdelay $0x4  }
0x90: {  	v53 =	vshrl.u32 v3, $0x3  }
0x91: {  	v4 =	vmul.u32 $0x30, v53  }
0x92: {  	v3 =	vand.u32 $0x7, v3  }
0x93: {  	v3 =	vor.u32 v3, v4  }
0x94: {  	v4 =	vperm.xlane v3, v0;
	_ =	sdelay $0x1  }
0x95: {  	v4 =	vadd.s32 v1, v4;
	_ =	sdelay $0x3  }
0x96: {  	s11 =	simm.s32 $0xF100;
	v3 =	vperm.xlane v3, v2  }
0x97: {  	[tilespmem:s11], [sflag:$0x3] =	stream.indirect_vreg.gather [hbm4b:s2+s3], $0x80, v4, vm0, $0xb8;
	[tilespmem:$0x1E100] =	vst v63  }
0x98: {  	s10 =	simm.s32 $0xF900;
	v3 =	vadd.s32 v1, v3  }
0x99: {  	[tilespmem:s10], [sflag:$0x3] =	stream.indirect_vreg.gather [hbm4b:s4+s3], $0x80, v4, vm0, $0xb8;
	[tilespmem:$0x1E100] =	vst v63  }
0x9a: {  	s11 =	simm.s32 $0x10100  }
0x9b: {  	[tilespmem:s11], [sflag:$0x3] =	stream.indirect_vreg.gather [hbm4b:s5+s3], $0x80, v4, vm0, $0xb8;
	[tilespmem:$0x1E100] =	vst v63  }
0x9c: {  	s10 =	simm.s32 $0x10900  }
0x9d: {  	[tilespmem:s10], [sflag:$0x3] =	stream.indirect_vreg.gather [hbm4b:s2+s3], $0x80, v3, vm0, $0xb8;
	[tilespmem:$0x1E100] =	vst v63  }
0x9e: {  	s11 =	simm.s32 $0x11100  }
0x9f: {  	[tilespmem:s11], [sflag:$0x3] =	stream.indirect_vreg.gather [hbm4b:s4+s3], $0x80, v3, vm0, $0xb8;
	[tilespmem:$0x1E100] =	vst v63  }
0xa0: {  	s10 =	simm.s32 $0x11900  }
0xa1: {  	[tilespmem:s10], [sflag:$0x3] =	stream.indirect_vreg.gather [hbm4b:s5+s3], $0x80, v3, vm0, $0xb8;
	[tilespmem:$0x1E100] =	vst v63  }
0xa2: {  	v3 =	vld [tilespmem:$0x60];
	_ =	sdelay $0x4  }
0xa3: {  	v54 =	vshrl.u32 v3, $0x3  }
0xa4: {  	v4 =	vmul.u32 $0x30, v54  }
0xa5: {  	v3 =	vand.u32 $0x7, v3  }
0xa6: {  	v3 =	vor.u32 v3, v4  }
0xa7: {  	v4 =	vperm.xlane v3, v0;
	_ =	sdelay $0x1  }
0xa8: {  	v4 =	vadd.s32 v1, v4;
	_ =	sdelay $0x3  }
0xa9: {  	s11 =	simm.s32 $0x12100;
	v3 =	vperm.xlane v3, v2  }
0xaa: {  	[tilespmem:s11], [sflag:$0x4] =	stream.indirect_vreg.gather [hbm4b:s2+s3], $0x80, v4, vm0, $0xb8;
	[tilespmem:$0x1E100] =	vst v63  }
0xab: {  	s10 =	rddreg [dreg:$0xf];
	v3 =	vadd.s32 v1, v3  }
0xac: {  	[tilespmem:s10], [sflag:$0x4] =	stream.indirect_vreg.gather [hbm4b:s4+s3], $0x80, v4, vm0, $0xb8;
	[tilespmem:$0x1E100] =	vst v63  }
0xad: {  	s11 =	rddreg [dreg:$0x10]  }
0xae: {  	[tilespmem:s11], [sflag:$0x4] =	stream.indirect_vreg.gather [hbm4b:s5+s3], $0x80, v4, vm0, $0xb8;
	[tilespmem:$0x1E100] =	vst v63  }
0xaf: {  	s1 =	rddreg [dreg:$0x11]  }
0xb0: {  	[tilespmem:s1], [sflag:$0x4] =	stream.indirect_vreg.gather [hbm4b:s2+s3], $0x80, v3, vm0, $0xb8;
	[tilespmem:$0x1E100] =	vst v63  }
0xb1: {  	s11 =	rddreg [dreg:$0x12]  }
0xb2: {  	[tilespmem:s11], [sflag:$0x4] =	stream.indirect_vreg.gather [hbm4b:s4+s3], $0x80, v3, vm0, $0xb8;
	[tilespmem:$0x1E100] =	vst v63  }
0xb3: {  	s1 =	rddreg [dreg:$0x13]  }
0xb4: {  	[tilespmem:s1], [sflag:$0x4] =	stream.indirect_vreg.gather [hbm4b:s5+s3], $0x80, v3, vm0, $0xb8;
	[tilespmem:$0x1E100] =	vst v63  }
0xb5: {  	v3 =	vld [tilespmem:$0x70];
	_ =	sdelay $0x4  }
0xb6: {  	v55 =	vshrl.u32 v3, $0x3  }
0xb7: {  	v4 =	vmul.u32 $0x30, v55  }
0xb8: {  	v3 =	vand.u32 $0x7, v3  }
0xb9: {  	v3 =	vor.u32 v3, v4  }
0xba: {  	v4 =	vperm.xlane v3, v0;
	_ =	sdelay $0x1  }
0xbb: {  	v4 =	vadd.s32 v1, v4;
	_ =	sdelay $0x3  }
0xbc: {  	s11 =	rddreg [dreg:$0x14];
	v3 =	vperm.xlane v3, v2  }
0xbd: {  	[tilespmem:s11], [sflag:$0x4] =	stream.indirect_vreg.gather [hbm4b:s2+s3], $0x80, v4, vm0, $0xb8;
	[tilespmem:$0x1E100] =	vst v63  }
0xbe: {  	s1 =	rddreg [dreg:$0x15];
	v3 =	vadd.s32 v1, v3  }
0xbf: {  	[tilespmem:s1], [sflag:$0x4] =	stream.indirect_vreg.gather [hbm4b:s4+s3], $0x80, v4, vm0, $0xb8;
	[tilespmem:$0x1E100] =	vst v63  }
0xc0: {  	s10 =	rddreg [dreg:$0x16]  }
0xc1: {  	[tilespmem:s10], [sflag:$0x4] =	stream.indirect_vreg.gather [hbm4b:s5+s3], $0x80, v4, vm0, $0xb8;
	[tilespmem:$0x1E100] =	vst v63  }
0xc2: {  	s1 =	rddreg [dreg:$0x17]  }
0xc3: {  	[tilespmem:s1], [sflag:$0x4] =	stream.indirect_vreg.gather [hbm4b:s2+s3], $0x80, v3, vm0, $0xb8;
	[tilespmem:$0x1E100] =	vst v63  }
0xc4: {  	s10 =	rddreg [dreg:$0x18]  }
0xc5: {  	[tilespmem:s10], [sflag:$0x4] =	stream.indirect_vreg.gather [hbm4b:s4+s3], $0x80, v3, vm0, $0xb8;
	[tilespmem:$0x1E100] =	vst v63  }
0xc6: {  	s1 =	rddreg [dreg:$0x19]  }
0xc7: {  	[tilespmem:s1], [sflag:$0x4] =	stream.indirect_vreg.gather [hbm4b:s5+s3], $0x80, v3, vm0, $0xb8;
	[tilespmem:$0x1E100] =	vst v63  }
0xc8: {  	v3 =	vld [tilespmem:$0x80];
	_ =	sdelay $0x4  }
0xc9: {  	v56 =	vshrl.u32 v3, $0x3  }
0xca: {  	v4 =	vmul.u32 $0x30, v56  }
0xcb: {  	v3 =	vand.u32 $0x7, v3  }
0xcc: {  	v3 =	vor.u32 v3, v4  }
0xcd: {  	v4 =	vperm.xlane v3, v0;
	_ =	sdelay $0x1  }
0xce: {  	v4 =	vadd.s32 v1, v4;
	_ =	sdelay $0x3  }
0xcf: {  	s1 =	simm.s32 $0x18100;
	v3 =	vperm.xlane v3, v2  }
0xd0: {  	[tilespmem:s1], [sflag:$0x5] =	stream.indirect_vreg.gather [hbm4b:s2+s3], $0x80, v4, vm0, $0xb8;
	[tilespmem:$0x1E100] =	vst v63  }
0xd1: {  	s10 =	rddreg [dreg:$0x1a];
	v3 =	vadd.s32 v1, v3  }
0xd2: {  	[tilespmem:s10], [sflag:$0x5] =	stream.indirect_vreg.gather [hbm4b:s4+s3], $0x80, v4, vm0, $0xb8;
	[tilespmem:$0x1E100] =	vst v63  }
0xd3: {  	s11 =	rddreg [dreg:$0x1b]  }
0xd4: {  	[tilespmem:s11], [sflag:$0x5] =	stream.indirect_vreg.gather [hbm4b:s5+s3], $0x80, v4, vm0, $0xb8;
	[tilespmem:$0x1E100] =	vst v63  }
0xd5: {  	s10 =	rddreg [dreg:$0x1c]  }
0xd6: {  	[tilespmem:s10], [sflag:$0x5] =	stream.indirect_vreg.gather [hbm4b:s2+s3], $0x80, v3, vm0, $0xb8;
	[tilespmem:$0x1E100] =	vst v63  }
0xd7: {  	s11 =	rddreg [dreg:$0x1d]  }
0xd8: {  	[tilespmem:s11], [sflag:$0x5] =	stream.indirect_vreg.gather [hbm4b:s4+s3], $0x80, v3, vm0, $0xb8;
	[tilespmem:$0x1E100] =	vst v63  }
0xd9: {  	s10 =	rddreg [dreg:$0x1e]  }
0xda: {  	[tilespmem:s10], [sflag:$0x5] =	stream.indirect_vreg.gather [hbm4b:s5+s3], $0x80, v3, vm0, $0xb8;
	[tilespmem:$0x1E100] =	vst v63  }
0xdb: {  	v3 =	vld [tilespmem:$0x90];
	_ =	sdelay $0x4  }
0xdc: {  	v57 =	vshrl.u32 v3, $0x3  }
0xdd: {  	v4 =	vmul.u32 $0x30, v57  }
0xde: {  	v3 =	vand.u32 $0x7, v3  }
0xdf: {  	v3 =	vor.u32 v3, v4  }
0xe0: {  	v4 =	vperm.xlane v3, v0;
	_ =	sdelay $0x1  }
0xe1: {  	v4 =	vadd.s32 v1, v4;
	_ =	sdelay $0x2  }
0xe2: {  	s11 =	sld [smem:$0x7F9]  }
0xe3: {  	s10 =	rddreg [dreg:$0x1f];
	v3 =	vperm.xlane v3, v2  }
0xe4: {  	[tilespmem:s10], [sflag:$0x5] =	stream.indirect_vreg.gather [hbm4b:s2+s3], $0x80, v4, vm0, $0xb8;
	[tilespmem:$0x1E100] =	vst v63  }
0xe5: {  	v3 =	vadd.s32 v1, v3;
	s10 =	sld [smem:$0x7FA]  }
0xe6: {  	[tilespmem:s11], [sflag:$0x5] =	stream.indirect_vreg.gather [hbm4b:s4+s3], $0x80, v4, vm0, $0xb8;
	[tilespmem:$0x1E100] =	vst v63  }
0xe7: {  	s11 =	sld [smem:$0x7FB]  }
0xe8: {  	[tilespmem:s10], [sflag:$0x5] =	stream.indirect_vreg.gather [hbm4b:s5+s3], $0x80, v4, vm0, $0xb8;
	[tilespmem:$0x1E100] =	vst v63  }
0xe9: {  	s10 =	sld [smem:$0x7FC]  }
0xea: {  	[tilespmem:s11], [sflag:$0x5] =	stream.indirect_vreg.gather [hbm4b:s2+s3], $0x80, v3, vm0, $0xb8;
	[tilespmem:$0x1E100] =	vst v63  }
0xeb: {  	s11 =	sld [smem:$0x7FD]  }
0xec: {  	[tilespmem:s10], [sflag:$0x5] =	stream.indirect_vreg.gather [hbm4b:s4+s3], $0x80, v3, vm0, $0xb8;
	[tilespmem:$0x1E100] =	vst v63  }
0xed: {  	_ = 	snop  }
0xee: {  	[tilespmem:s11], [sflag:$0x5] =	stream.indirect_vreg.gather [hbm4b:s5+s3], $0x80, v3, vm0, $0xb8;
	[tilespmem:$0x1E100] =	vst v63  }
0xef: {  	_ =	swait.ge [sflag:s8], $0x6000  }
0xf0: {  	[sflag:s8] =	ssyncset.done $0x0  }
0xf1: {  	s11 =	rddreg [dreg:$0x5];
	[sflag:s8] =	ssyncadd.s32 $0xFFFFA000  }
0xf2: {  	[hbm4b:s11+s3] =	stream.linear.scatter [tilespmem:s20], [sflag:$0x6], $0x6000, $0x38;
	[tilespmem:$0x1E100] =	vst v63  }
0xf3: {  	_ =	swait.ge [sflag:s24], $0x6000  }
0xf4: {  	[sflag:s24] =	ssyncset.done $0x0  }
0xf5: {  	[sflag:s24] =	ssyncadd.s32 $0xFFFFA000  }
0xf6: {  	v3 =	vld [tilespmem:$0xA0];
	_ =	sdelay $0x4  }
0xf7: {  	v58 =	vshrl.u32 v3, $0x3  }
0xf8: {  	v4 =	vmul.u32 $0x30, v58  }
0xf9: {  	v3 =	vand.u32 $0x7, v3  }
0xfa: {  	v3 =	vor.u32 v3, v4  }
0xfb: {  	v4 =	vperm.xlane v3, v0;
	_ =	sdelay $0x1  }
0xfc: {  	v4 =	vadd.s32 v1, v4;
	_ =	sdelay $0x3  }
0xfd: {  	v3 =	vperm.xlane v3, v2  }
0xfe: {  	[tilespmem:s20], [sflag:$0x1] =	stream.indirect_vreg.gather [hbm4b:s2+s3], $0x80, v4, vm0, $0xb8;
	[tilespmem:$0x1E100] =	vst v63  }
0xff: {  	v3 =	vadd.s32 v1, v3  }
0x100: {  	[tilespmem:s12], [sflag:$0x1] =	stream.indirect_vreg.gather [hbm4b:s4+s3], $0x80, v4, vm0, $0xb8;
	[tilespmem:$0x1E100] =	vst v63  }
0x101: {  	_ = 	snop  }
0x102: {  	[tilespmem:s13], [sflag:$0x1] =	stream.indirect_vreg.gather [hbm4b:s5+s3], $0x80, v4, vm0, $0xb8;
	[tilespmem:$0x1E100] =	vst v63  }
0x103: {  	_ = 	snop  }
0x104: {  	[tilespmem:s14], [sflag:$0x1] =	stream.indirect_vreg.gather [hbm4b:s2+s3], $0x80, v3, vm0, $0xb8;
	[tilespmem:$0x1E100] =	vst v63  }
0x105: {  	_ = 	snop  }
0x106: {  	[tilespmem:s15], [sflag:$0x1] =	stream.indirect_vreg.gather [hbm4b:s4+s3], $0x80, v3, vm0, $0xb8;
	[tilespmem:$0x1E100] =	vst v63  }
0x107: {  	_ = 	snop  }
0x108: {  	[tilespmem:s16], [sflag:$0x1] =	stream.indirect_vreg.gather [hbm4b:s5+s3], $0x80, v3, vm0, $0xb8;
	[tilespmem:$0x1E100] =	vst v63  }
0x109: {  	v3 =	vld [tilespmem:$0xB0];
	_ =	sdelay $0x4  }
0x10a: {  	v59 =	vshrl.u32 v3, $0x3  }
0x10b: {  	v4 =	vmul.u32 $0x30, v59  }
0x10c: {  	v3 =	vand.u32 $0x7, v3  }
0x10d: {  	v3 =	vor.u32 v3, v4  }
0x10e: {  	v4 =	vperm.xlane v3, v0;
	_ =	sdelay $0x1  }
0x10f: {  	v4 =	vadd.s32 v1, v4;
	_ =	sdelay $0x3  }
0x110: {  	v3 =	vperm.xlane v3, v2  }
0x111: {  	[tilespmem:s17], [sflag:$0x1] =	stream.indirect_vreg.gather [hbm4b:s2+s3], $0x80, v4, vm0, $0xb8;
	[tilespmem:$0x1E100] =	vst v63  }
0x112: {  	v3 =	vadd.s32 v1, v3  }
0x113: {  	[tilespmem:s18], [sflag:$0x1] =	stream.indirect_vreg.gather [hbm4b:s4+s3], $0x80, v4, vm0, $0xb8;
	[tilespmem:$0x1E100] =	vst v63  }
0x114: {  	_ = 	snop  }
0x115: {  	[tilespmem:s19], [sflag:$0x1] =	stream.indirect_vreg.gather [hbm4b:s5+s3], $0x80, v4, vm0, $0xb8;
	[tilespmem:$0x1E100] =	vst v63  }
0x116: {  	_ = 	snop  }
0x117: {  	[tilespmem:s21], [sflag:$0x1] =	stream.indirect_vreg.gather [hbm4b:s2+s3], $0x80, v3, vm0, $0xb8;
	[tilespmem:$0x1E100] =	vst v63  }
0x118: {  	_ = 	snop  }
0x119: {  	[tilespmem:s22], [sflag:$0x1] =	stream.indirect_vreg.gather [hbm4b:s4+s3], $0x80, v3, vm0, $0xb8;
	[tilespmem:$0x1E100] =	vst v63  }
0x11a: {  	_ = 	snop  }
0x11b: {  	[tilespmem:s7], [sflag:$0x1] =	stream.indirect_vreg.gather [hbm4b:s5+s3], $0x80, v3, vm0, $0xb8;
	[tilespmem:$0x1E100] =	vst v63  }
0x11c: {  	_ =	swait.ge [sflag:s25], $0x6000  }
0x11d: {  	[sflag:s25] =	ssyncset.done $0x0  }
0x11e: {  	s7 =	rddreg [dreg:$0x6];
	[sflag:s25] =	ssyncadd.s32 $0xFFFFA000  }
0x11f: {  	[hbm4b:s7+s3] =	stream.linear.scatter [tilespmem:s0], [sflag:$0x7], $0x6000, $0x38;
	[tilespmem:$0x1E100] =	vst v63  }
0x120: {  	_ =	swait.ge [sflag:s26], $0x6000  }
0x121: {  	[sflag:s26] =	ssyncset.done $0x0  }
0x122: {  	[sflag:s26] =	ssyncadd.s32 $0xFFFFA000  }
0x123: {  	v3 =	vld [tilespmem:$0xC0];
	_ =	sdelay $0x4  }
0x124: {  	v60 =	vshrl.u32 v3, $0x3  }
0x125: {  	v4 =	vmul.u32 $0x30, v60  }
0x126: {  	v3 =	vand.u32 $0x7, v3  }
0x127: {  	v3 =	vor.u32 v3, v4  }
0x128: {  	v4 =	vperm.xlane v3, v0;
	_ =	sdelay $0x1  }
0x129: {  	v4 =	vadd.s32 v1, v4;
	_ =	sdelay $0x3  }
0x12a: {  	v3 =	vperm.xlane v3, v2  }
0x12b: {  	[tilespmem:s0], [sflag:$0x2] =	stream.indirect_vreg.gather [hbm4b:s2+s3], $0x80, v4, vm0, $0xb8;
	[tilespmem:$0x1E100] =	vst v63  }
0x12c: {  	v3 =	vadd.s32 v1, v3  }
0x12d: {  	[tilespmem:s30], [sflag:$0x2] =	stream.indirect_vreg.gather [hbm4b:s4+s3], $0x80, v4, vm0, $0xb8;
	[tilespmem:$0x1E100] =	vst v63  }
0x12e: {  	_ = 	snop  }
0x12f: {  	[tilespmem:s31], [sflag:$0x2] =	stream.indirect_vreg.gather [hbm4b:s5+s3], $0x80, v4, vm0, $0xb8;
	[tilespmem:$0x1E100] =	vst v63  }
0x130: {  	s11 =	simm.s32 $0x7900  }
0x131: {  	[tilespmem:s11], [sflag:$0x2] =	stream.indirect_vreg.gather [hbm4b:s2+s3], $0x80, v3, vm0, $0xb8;
	[tilespmem:$0x1E100] =	vst v63  }
0x132: {  	_ = 	snop  }
0x133: {  	[tilespmem:s9], [sflag:$0x2] =	stream.indirect_vreg.gather [hbm4b:s4+s3], $0x80, v3, vm0, $0xb8;
	[tilespmem:$0x1E100] =	vst v63  }
0x134: {  	s12 =	simm.s32 $0x8900  }
0x135: {  	[tilespmem:s12], [sflag:$0x2] =	stream.indirect_vreg.gather [hbm4b:s5+s3], $0x80, v3, vm0, $0xb8;
	[tilespmem:$0x1E100] =	vst v63  }
0x136: {  	v3 =	vld [tilespmem:$0xD0];
	_ =	sdelay $0x4  }
0x137: {  	v61 =	vshrl.u32 v3, $0x3  }
0x138: {  	v4 =	vmul.u32 $0x30, v61  }
0x139: {  	v3 =	vand.u32 $0x7, v3  }
0x13a: {  	v3 =	vor.u32 v3, v4  }
0x13b: {  	v4 =	vperm.xlane v3, v0;
	_ =	sdelay $0x1  }
0x13c: {  	v4 =	vadd.s32 v1, v4;
	_ =	sdelay $0x3  }
0x13d: {  	s10 =	simm.s32 $0x9100;
	v3 =	vperm.xlane v3, v2  }
0x13e: {  	[tilespmem:s10], [sflag:$0x2] =	stream.indirect_vreg.gather [hbm4b:s2+s3], $0x80, v4, vm0, $0xb8;
	[tilespmem:$0x1E100] =	vst v63  }
0x13f: {  	s11 =	simm.s32 $0x9900;
	v3 =	vadd.s32 v1, v3  }
0x140: {  	[tilespmem:s11], [sflag:$0x2] =	stream.indirect_vreg.gather [hbm4b:s4+s3], $0x80, v4, vm0, $0xb8;
	[tilespmem:$0x1E100] =	vst v63  }
0x141: {  	s12 =	simm.s32 $0xA100  }
0x142: {  	[tilespmem:s12], [sflag:$0x2] =	stream.indirect_vreg.gather [hbm4b:s5+s3], $0x80, v4, vm0, $0xb8;
	[tilespmem:$0x1E100] =	vst v63  }
0x143: {  	s10 =	simm.s32 $0xA900  }
0x144: {  	[tilespmem:s10], [sflag:$0x2] =	stream.indirect_vreg.gather [hbm4b:s2+s3], $0x80, v3, vm0, $0xb8;
	[tilespmem:$0x1E100] =	vst v63  }
0x145: {  	s11 =	simm.s32 $0xB100  }
0x146: {  	[tilespmem:s11], [sflag:$0x2] =	stream.indirect_vreg.gather [hbm4b:s4+s3], $0x80, v3, vm0, $0xb8;
	[tilespmem:$0x1E100] =	vst v63  }
0x147: {  	s12 =	simm.s32 $0xB900  }
0x148: {  	[tilespmem:s12], [sflag:$0x2] =	stream.indirect_vreg.gather [hbm4b:s5+s3], $0x80, v3, vm0, $0xb8;
	[tilespmem:$0x1E100] =	vst v63  }
0x149: {  	_ =	swait.ge [sflag:s28], $0x6000  }
0x14a: {  	[sflag:s28] =	ssyncset.done $0x0  }
0x14b: {  	s7 =	rddreg [dreg:$0x7];
	[sflag:s28] =	ssyncadd.s32 $0xFFFFA000  }
0x14c: {  	[hbm4b:s7+s3] =	stream.linear.scatter [tilespmem:s23], [sflag:$0x8], $0x6000, $0x38;
	[tilespmem:$0x1E100] =	vst v63  }
0x14d: {  	_ =	swait.ge [sflag:s29], $0x6000  }
0x14e: {  	[sflag:s29] =	ssyncset.done $0x0  }
0x14f: {  	[sflag:s29] =	ssyncadd.s32 $0xFFFFA000  }
0x150: {  	v3 =	vld [tilespmem:$0xE0];
	_ =	sdelay $0x4  }
0x151: {  	v62 =	vshrl.u32 v3, $0x3  }
0x152: {  	v4 =	vmul.u32 $0x30, v62  }
0x153: {  	v3 =	vand.u32 $0x7, v3  }
0x154: {  	v3 =	vor.u32 v3, v4  }
0x155: {  	v4 =	vperm.xlane v3, v0;
	_ =	sdelay $0x1  }
0x156: {  	v4 =	vadd.s32 v1, v4;
	_ =	sdelay $0x3  }
0x157: {  	v3 =	vperm.xlane v3, v2  }
0x158: {  	[tilespmem:s23], [sflag:$0x3] =	stream.indirect_vreg.gather [hbm4b:s2+s3], $0x80, v4, vm0, $0xb8;
	[tilespmem:$0x1E100] =	vst v63  }
0x159: {  	s11 =	simm.s32 $0xC900;
	v3 =	vadd.s32 v1, v3  }
0x15a: {  	[tilespmem:s11], [sflag:$0x3] =	stream.indirect_vreg.gather [hbm4b:s4+s3], $0x80, v4, vm0, $0xb8;
	[tilespmem:$0x1E100] =	vst v63  }
0x15b: {  	s12 =	simm.s32 $0xD100  }
0x15c: {  	[tilespmem:s12], [sflag:$0x3] =	stream.indirect_vreg.gather [hbm4b:s5+s3], $0x80, v4, vm0, $0xb8;
	[tilespmem:$0x1E100] =	vst v63  }
0x15d: {  	s10 =	simm.s32 $0xD900  }
0x15e: {  	[tilespmem:s10], [sflag:$0x3] =	stream.indirect_vreg.gather [hbm4b:s2+s3], $0x80, v3, vm0, $0xb8;
	[tilespmem:$0x1E100] =	vst v63  }
0x15f: {  	s11 =	simm.s32 $0xE100  }
0x160: {  	[tilespmem:s11], [sflag:$0x3] =	stream.indirect_vreg.gather [hbm4b:s4+s3], $0x80, v3, vm0, $0xb8;
	[tilespmem:$0x1E100] =	vst v63  }
0x161: {  	s12 =	simm.s32 $0xE900  }
0x162: {  	[tilespmem:s12], [sflag:$0x3] =	stream.indirect_vreg.gather [hbm4b:s5+s3], $0x80, v3, vm0, $0xb8;
	[tilespmem:$0x1E100] =	vst v63  }
0x163: {  	v3 =	vld [tilespmem:$0xF0];
	_ =	sdelay $0x4  }
0x164: {  	v63 =	vshrl.u32 v3, $0x3  }
0x165: {  	v4 =	vmul.u32 $0x30, v63  }
0x166: {  	v3 =	vand.u32 $0x7, v3  }
0x167: {  	v3 =	vor.u32 v3, v4  }
0x168: {  	v4 =	vperm.xlane v3, v0;
	_ =	sdelay $0x1  }
0x169: {  	v4 =	vadd.s32 v1, v4;
	_ =	sdelay $0x3  }
0x16a: {  	s10 =	simm.s32 $0xF100;
	v3 =	vperm.xlane v3, v2  }
0x16b: {  	[tilespmem:s10], [sflag:$0x3] =	stream.indirect_vreg.gather [hbm4b:s2+s3], $0x80, v4, vm0, $0xb8;
	[tilespmem:$0x1E100] =	vst v63  }
0x16c: {  	s11 =	simm.s32 $0xF900;
	v3 =	vadd.s32 v1, v3  }
0x16d: {  	[tilespmem:s11], [sflag:$0x3] =	stream.indirect_vreg.gather [hbm4b:s4+s3], $0x80, v4, vm0, $0xb8;
	[tilespmem:$0x1E100] =	vst v63  }
0x16e: {  	s12 =	simm.s32 $0x10100  }
0x16f: {  	[tilespmem:s12], [sflag:$0x3] =	stream.indirect_vreg.gather [hbm4b:s5+s3], $0x80, v4, vm0, $0xb8;
	[tilespmem:$0x1E100] =	vst v63  }
0x170: {  	s10 =	simm.s32 $0x10900  }
0x171: {  	[tilespmem:s10], [sflag:$0x3] =	stream.indirect_vreg.gather [hbm4b:s2+s3], $0x80, v3, vm0, $0xb8;
	[tilespmem:$0x1E100] =	vst v63  }
0x172: {  	s11 =	simm.s32 $0x11100  }
0x173: {  	[tilespmem:s11], [sflag:$0x3] =	stream.indirect_vreg.gather [hbm4b:s4+s3], $0x80, v3, vm0, $0xb8;
	[tilespmem:$0x1E100] =	vst v63  }
0x174: {  	s12 =	simm.s32 $0x11900;
	s10 =	simm.s32 $0x4  }
0x175: {  	[tilespmem:s12], [sflag:$0x3] =	stream.indirect_vreg.gather [hbm4b:s5+s3], $0x80, v3, vm0, $0xb8;
	[tilespmem:$0x1E100] =	vst v63  }
0x176: {  	_ =	swait.ge [sflag:s10], $0x6000  }
0x177: {  	s12 =	simm.s32 $0x12100;
	[sflag:s10] =	ssyncset.done $0x0  }
0x178: {  	s11 =	rddreg [dreg:$0x8];
	[sflag:s10] =	ssyncadd.s32 $0xFFFFA000;
	s10 =	simm.s32 $0x5  }
0x179: {  	[hbm4b:s11+s3] =	stream.linear.scatter [tilespmem:s12], [sflag:$0x9], $0x6000, $0x38;
	[tilespmem:$0x1E100] =	vst v63  }
0x17a: {  	_ =	swait.ge [sflag:s10], $0x6000  }
0x17b: {  	[sflag:s10] =	ssyncset.done $0x0  }
0x17c: {  	s11 =	rddreg [dreg:$0x9];
	[sflag:s10] =	ssyncadd.s32 $0xFFFFA000  }
0x17d: {  	[hbm4b:s11+s3] =	stream.linear.scatter [tilespmem:s1], [sflag:$0xA], $0x6000, $0x38;
	[tilespmem:$0x1E100] =	vst v63  }
0x17e: {  	_ =	swait.ge [sflag:s8], $0x6000  }
0x17f: {  	[sflag:s8] =	ssyncset.done $0x0  }
0x180: {  	s12 =	rddreg [dreg:$0xa];
	[sflag:s8] =	ssyncadd.s32 $0xFFFFA000  }
0x181: {  	[hbm4b:s12+s3] =	stream.linear.scatter [tilespmem:s20], [sflag:$0x6], $0x6000, $0x38;
	[tilespmem:$0x1E100] =	vst v63  }
0x182: {  	_ =	swait.ge [sflag:s25], $0x6000  }
0x183: {  	[sflag:s25] =	ssyncset.done $0x0  }
0x184: {  	s1 =	rddreg [dreg:$0xb];
	[sflag:s25] =	ssyncadd.s32 $0xFFFFA000  }
0x185: {  	[hbm4b:s1+s3] =	stream.linear.scatter [tilespmem:s0], [sflag:$0x7], $0x6000, $0x38;
	[tilespmem:$0x1E100] =	vst v63  }
0x186: {  	_ =	swait.ge [sflag:s28], $0x6000  }
0x187: {  	[sflag:s28] =	ssyncset.done $0x0  }
0x188: {  	s11 =	simm.s32 $0x9;
	s7 =	rddreg [dreg:$0xc];
	[sflag:s28] =	ssyncadd.s32 $0xFFFFA000  }
0x189: {  	[hbm4b:s7+s3] =	stream.linear.scatter [tilespmem:s23], [sflag:$0x8], $0x6000, $0x38;
	[tilespmem:$0x1E100] =	vst v63  }
0x18a: {  	_ =	swait.ge [sflag:s11], $0x6000  }
0x18b: {  	[sflag:s11] =	ssyncset.done $0x0  }
0x18c: {  	s12 =	simm.s32 $0xA;
	[sflag:s11] =	ssyncadd.s32 $0xFFFFA000  }
0x18d: {  	_ =	swait.ge [sflag:s12], $0x6000  }
0x18e: {  	[sflag:s12] =	ssyncset.done $0x0  }
0x18f: {  	[sflag:s12] =	ssyncadd.s32 $0xFFFFA000  }
0x190: {  	_ =	swait.ge [sflag:s24], $0x6000  }
0x191: {  	[sflag:s24] =	ssyncset.done $0x0  }
0x192: {  	[sflag:s24] =	ssyncadd.s32 $0xFFFFA000  }
0x193: {  	p0 =	sne.s32 s6, $0x1;
	_ =	swait.ge [sflag:s26], $0x6000  }
.Ltmp0:
0x194: {  	[sflag:s26] =	ssyncset.done $0x0;
	(pc) =	sbr.rel @p0 .LBB2_1-.Ltmp0, $4  }
0x195: {  	[sflag:s26] =	ssyncadd.s32 $0xFFFFA000  }
0x196: {  	_ =	swait.ge [sflag:s29], $0x6000  }
0x197: {  	[sflag:s29] =	ssyncset.done $0x0  }
0x198: {  	s6 =	sadd.s32 $0xFFFFFFFF, s6;
	[sflag:s29] =	ssyncadd.s32 $0xFFFFA000  }
0x199: {  	_ =	sfence.sel $0x180000  }
0x19a: {  	[bflag:$0x0] =	sbarrier.arrive $0xFFFF  }
0x19b: {  	_ =	strace $0x90000047  }
0x19c: {  	s0 =	stileid.u32;
	[bflag:$0x2] =	sbarrier.arrive $0xFFFF  }
0x19d: {  	p0 =	sne.s32 s0, $0x0;
	s0 =	rddreg [dreg:$0x3]  }
0x19e: {  	s0 =	sadd.s32 @!p0 $0x100000, s0  }
0x19f: {  	[sflag:s0] =	ssyncadd.tile.s32 @!p0 $0x1;
	_ =	shalt  }
.Lfunc_end2:
_tile_overlayer_lowered:
.L_overlay_start_2:
0x1a0: {  	(tag) =	ssettag $0x2  }
0x1a1: {  	s0 =	rddreg [dreg:$0x0];
	s2 =	stileid.u32  }
0x1a2: {  	s1 =	rddreg [dreg:$0x1];
	p0 =	sne.s32 s2, $0x0  }
0x1a3: {  	s3 =	rddreg [dreg:$0x2];
	[bflag:$0x3] =	sbarrier.arrive $0xFFFF;
	s2 =	simm.s32 @!p0 $0x1C0B  }
0x1a4: {  	[timem:s3], [sflag:s2] =	dma.local @!p0 [hbm:s0], s1  }
0x1a5: {  	s0 =	simm.s32 @!p0 $0xB  }
0x1a6: {  	_ =	swait.ge @!p0 [sflag:s0], s1  }
0x1a7: {  	s1 =	ssub.s32 @!p0 $0x0, s1;
	[sflag:s0] =	ssyncset.done @!p0 $0x0  }
0x1a8: {  	[sflag:s0] =	ssyncadd.s32 @!p0 s1  }
0x1a9: {  	[bflag:$0x3] =	sbarrier.arrive $0xFFFF  }
0x1aa: {  	_ =	shalt  }

</sc_bundles>
